<compile_context>
chip_gen: v7x
topology: tpu7x:2x2x1
jax: 0.10.2.dev20260603
libtpu: 0.0.44.dev20260713+nightly
codegen_flags: <defaults>
</compile_context>

<pallas_src>
import functools

import jax
import jax.numpy as jnp
from jax import lax
from jax.experimental import pallas as pl
from jax.experimental.pallas import tpu as pltpu
from jax.experimental.pallas import tpu_sc as plsc

NC = 2
NS = 16
NW = NC * NS
L = 16


def _mf_body(B, D, uidx_hbm, iidx_hbm, utab_hbm, itab_hbm, ub_hbm, ib_hbm,
             glob_hbm, out_hbm, uidx_v, iidx_v, urows_v, irows_v, ub_v, ib_v,
             out_v, glob_v, sem):
    bpw = B // NW
    wid = lax.axis_index("s") * NC + lax.axis_index("c")
    base = wid * bpw

    pltpu.sync_copy(uidx_hbm.at[pl.ds(base, bpw)], uidx_v)
    pltpu.sync_copy(iidx_hbm.at[pl.ds(base, bpw)], iidx_v)
    pltpu.sync_copy(glob_hbm, glob_v)

    c1 = pltpu.async_copy(utab_hbm.at[uidx_v], urows_v, sem)
    c2 = pltpu.async_copy(itab_hbm.at[iidx_v], irows_v, sem)
    c3 = pltpu.async_copy(ub_hbm.at[uidx_v], ub_v, sem)
    c4 = pltpu.async_copy(ib_hbm.at[iidx_v], ib_v, sem)
    c1.wait()
    c2.wait()
    c3.wait()
    c4.wait()

    gvec = glob_v[...]
    iota = lax.iota(jnp.int32, L)

    def group(g, carry):
        e0 = g * L
        acc = ub_v[pl.ds(e0, L)] + ib_v[pl.ds(e0, L)] + gvec
        rid = iota + e0
        for d in range(D):
            cid = jnp.full((L,), d, jnp.int32)
            u = plsc.load_gather(urows_v, [rid, cid])
            it = plsc.load_gather(irows_v, [rid, cid])
            acc = acc + u * it
        out_v[pl.ds(e0, L)] = acc
        return carry

    lax.fori_loop(0, bpw // L, group, 0)

    pltpu.sync_copy(out_v, out_hbm.at[pl.ds(base, bpw)])


def kernel(user_indices, item_indices, user_table, item_table, user_bias,
           item_bias, global_rating):
    B = user_indices.shape[0]
    D = user_table.shape[1]
    bpw = B // NW

    uidx = user_indices.astype(jnp.int32)
    iidx = item_indices.astype(jnp.int32)
    ub = user_bias.reshape(-1)
    ib = item_bias.reshape(-1)
    glob = jnp.broadcast_to(global_rating.astype(jnp.float32), (L,))

    mesh = plsc.VectorSubcoreMesh(core_axis_name="c", subcore_axis_name="s")
    f = pl.kernel(
        functools.partial(_mf_body, B, D),
        out_type=jax.ShapeDtypeStruct((B,), jnp.float32),
        mesh=mesh,
        compiler_params=pltpu.CompilerParams(
            needs_layout_passes=False, use_tc_tiling_on_sc=False),
        scratch_types=[
            pltpu.VMEM((bpw,), jnp.int32),
            pltpu.VMEM((bpw,), jnp.int32),
            pltpu.VMEM((bpw, D), jnp.float32),
            pltpu.VMEM((bpw, D), jnp.float32),
            pltpu.VMEM((bpw,), jnp.float32),
            pltpu.VMEM((bpw,), jnp.float32),
            pltpu.VMEM((bpw,), jnp.float32),
            pltpu.VMEM((L,), jnp.float32),
            pltpu.SemaphoreType.DMA,
        ],
    )
    return f(uidx, iidx, user_table, item_table, ub, ib, glob)

# --- scband reference (transcript-rebuilt; emitter-appended) ---
"""Pipeline reference for scband-mfmodel-38113539785333 (READ-ONLY COPY).

The authoritative reference and input builder live on the scoring server;
editing this copy changes nothing except your own understanding.
"""

import jax, jax.numpy as jnp
import numpy as np

NUM_USER = 1000000
NUM_ITEM = 1000000
LATENT_DIM = 32
BATCH = 16384


def setup_inputs(seed: int = 0) -> dict:
    key = jax.random.key(seed)
    ks = jax.random.split(key, 7)
    return {
        "user_indices": jax.random.randint(ks[0], (BATCH,), 0, NUM_USER, dtype=jnp.int64) if jax.config.jax_enable_x64 else jax.random.randint(ks[0], (BATCH,), 0, NUM_USER),
        "item_indices": jax.random.randint(ks[1], (BATCH,), 0, NUM_ITEM),
        "user_table": jax.random.normal(ks[2], (NUM_USER, LATENT_DIM), dtype=jnp.float32) * 0.01,
        "item_table": jax.random.normal(ks[3], (NUM_ITEM, LATENT_DIM), dtype=jnp.float32) * 0.01,
        "user_bias": jax.random.normal(ks[4], (NUM_USER, 1), dtype=jnp.float32) * 0.01,
        "item_bias": jax.random.normal(ks[5], (NUM_ITEM, 1), dtype=jnp.float32) * 0.01,
        "global_rating": jnp.array([3.5], dtype=jnp.float32),
    }


def reference(user_indices, item_indices, user_table, item_table, user_bias, item_bias, global_rating):
    # user_embeddings = self.embedding_user(user_indices)
    user_embeddings = jnp.take(user_table, user_indices, axis=0)
    # item_embeddings = self.embedding_item(item_indices)
    item_embeddings = jnp.take(item_table, item_indices, axis=0)
    # is_use_bias=True branch
    predictions = jnp.take(item_bias, item_indices, axis=0)
    predictions = predictions + jnp.take(user_bias, user_indices, axis=0)
    predictions = predictions + global_rating
    predictions = predictions + jnp.sum(user_embeddings * item_embeddings, axis=1, keepdims=True)
    return jnp.squeeze(predictions)

if __name__ == "__main__":
    import jax
    _d = setup_inputs()
    print(jax.jit(kernel)(*tuple(_d.values())))

</pallas_src>

<mosaic_0001>
#map = affine_map<(d0, d1) -> (0)>
#map1 = affine_map<(d0, d1) -> (0, 0)>
module attributes {stable_mosaic.version = 14 : i64} {
  func.func @_mf_body(%arg0: i32, %arg1: i32, %arg2: memref<16384xi32, #tpu.memory_space<hbm>>, %arg3: memref<16384xi32, #tpu.memory_space<hbm>>, %arg4: memref<1000000x32xf32, #tpu.memory_space<hbm>>, %arg5: memref<1000000x32xf32, #tpu.memory_space<hbm>>, %arg6: memref<1000000xf32, #tpu.memory_space<hbm>>, %arg7: memref<1000000xf32, #tpu.memory_space<hbm>>, %arg8: memref<16xf32, #tpu.memory_space<hbm>>, %arg9: memref<16384xf32, #tpu.memory_space<hbm>>, %arg10: memref<512xi32, #tpu.memory_space<vmem>>, %arg11: memref<512xi32, #tpu.memory_space<vmem>>, %arg12: memref<512x32xf32, #tpu.memory_space<vmem>>, %arg13: memref<512x32xf32, #tpu.memory_space<vmem>>, %arg14: memref<512xf32, #tpu.memory_space<vmem>>, %arg15: memref<512xf32, #tpu.memory_space<vmem>>, %arg16: memref<512xf32, #tpu.memory_space<vmem>>, %arg17: memref<16xf32, #tpu.memory_space<vmem>>, %arg18: memref<!tpu.dma_semaphore, #tpu.memory_space<semaphore_mem>>) attributes {dimension_semantics = [#tpu.dimension_semantics<core_parallel>, #tpu.dimension_semantics<subcore_parallel>], iteration_bounds = array<i64: 2, 16>, scalar_prefetch = 0 : i64, scratch_operands = 9 : i64, tpu.core_type = #tpu.core_type<sc_vector_subcore>, window_params = [{transform_indices = #map}, {transform_indices = #map}, {transform_indices = #map1}, {transform_indices = #map1}, {transform_indices = #map}, {transform_indices = #map}, {transform_indices = #map}, {transform_indices = #map}]} {
    %mul3A = arith.constant 2 : i32
    %mul3A_0 = arith.muli %arg1, %mul3A : i32
    %add3A = arith.addi %mul3A_0, %arg0 : i32
    %mul3A_1 = arith.constant 512 : i32
    %mul3A_2 = arith.muli %add3A, %mul3A_1 : i32
    "tpu.region"() ({
      %run_scoped3A = tpu.sem_alloc : memref<!tpu.dma_semaphore, #tpu.memory_space<semaphore_mem>>
      %dma_start3A_27 = tpu.memref_slice %arg2[%mul3A_2] : memref<16384xi32, #tpu.memory_space<hbm>> -> memref<512xi32, #tpu.memory_space<hbm>>
      %dma_start3A_28 = tpu.memref_slice %arg2[%mul3A_2] : memref<16384xi32, #tpu.memory_space<hbm>> -> memref<512xi32, #tpu.memory_space<hbm>>
      tpu.enqueue_dma source(%dma_start3A_28 : memref<512xi32, #tpu.memory_space<hbm>>) target(%arg10 : memref<512xi32, #tpu.memory_space<vmem>>) target_semaphore(%run_scoped3A : memref<!tpu.dma_semaphore, #tpu.memory_space<semaphore_mem>>)
      %dma_wait3A_29 = tpu.memref_slice %arg2[%mul3A_2] : memref<16384xi32, #tpu.memory_space<hbm>> -> memref<512xi32, #tpu.memory_space<hbm>>
      %dma_wait3A_30 = tpu.memref_slice %arg2[%mul3A_2] : memref<16384xi32, #tpu.memory_space<hbm>> -> memref<512xi32, #tpu.memory_space<hbm>>
      tpu.wait_dma2 semaphore(%run_scoped3A : memref<!tpu.dma_semaphore, #tpu.memory_space<semaphore_mem>>) src(%dma_wait3A_30 : memref<512xi32, #tpu.memory_space<hbm>>) dst(%arg10 : memref<512xi32, #tpu.memory_space<vmem>>)
      tpu.yield
    }) : () -> ()
    "tpu.region"() ({
      %run_scoped3A = tpu.sem_alloc : memref<!tpu.dma_semaphore, #tpu.memory_space<semaphore_mem>>
      %dma_start3A_27 = tpu.memref_slice %arg3[%mul3A_2] : memref<16384xi32, #tpu.memory_space<hbm>> -> memref<512xi32, #tpu.memory_space<hbm>>
      %dma_start3A_28 = tpu.memref_slice %arg3[%mul3A_2] : memref<16384xi32, #tpu.memory_space<hbm>> -> memref<512xi32, #tpu.memory_space<hbm>>
      tpu.enqueue_dma source(%dma_start3A_28 : memref<512xi32, #tpu.memory_space<hbm>>) target(%arg11 : memref<512xi32, #tpu.memory_space<vmem>>) target_semaphore(%run_scoped3A : memref<!tpu.dma_semaphore, #tpu.memory_space<semaphore_mem>>)
      %dma_wait3A_29 = tpu.memref_slice %arg3[%mul3A_2] : memref<16384xi32, #tpu.memory_space<hbm>> -> memref<512xi32, #tpu.memory_space<hbm>>
      %dma_wait3A_30 = tpu.memref_slice %arg3[%mul3A_2] : memref<16384xi32, #tpu.memory_space<hbm>> -> memref<512xi32, #tpu.memory_space<hbm>>
      tpu.wait_dma2 semaphore(%run_scoped3A : memref<!tpu.dma_semaphore, #tpu.memory_space<semaphore_mem>>) src(%dma_wait3A_30 : memref<512xi32, #tpu.memory_space<hbm>>) dst(%arg11 : memref<512xi32, #tpu.memory_space<vmem>>)
      tpu.yield
    }) : () -> ()
    "tpu.region"() ({
      %run_scoped3A = tpu.sem_alloc : memref<!tpu.dma_semaphore, #tpu.memory_space<semaphore_mem>>
      tpu.enqueue_dma source(%arg8 : memref<16xf32, #tpu.memory_space<hbm>>) target(%arg17 : memref<16xf32, #tpu.memory_space<vmem>>) target_semaphore(%run_scoped3A : memref<!tpu.dma_semaphore, #tpu.memory_space<semaphore_mem>>)
      tpu.wait_dma2 semaphore(%run_scoped3A : memref<!tpu.dma_semaphore, #tpu.memory_space<semaphore_mem>>) src(%arg8 : memref<16xf32, #tpu.memory_space<hbm>>) dst(%arg17 : memref<16xf32, #tpu.memory_space<vmem>>)
      tpu.yield
    }) : () -> ()
    %dma_start3A = arith.constant 0 : i32
    %dma_start3A_3 = arith.constant 0 : i32
    %dma_start3A_4 = tpu.memref_slice %arg4[%dma_start3A, %dma_start3A_3] : memref<1000000x32xf32, #tpu.memory_space<hbm>> -> memref<1000000x32xf32, #tpu.memory_space<hbm>>
    tpu.enqueue_indirect_dma source(%dma_start3A_4 : memref<1000000x32xf32, #tpu.memory_space<hbm>>) target(%arg12 : memref<512x32xf32, #tpu.memory_space<vmem>>) offsets(%arg10 : memref<512xi32, #tpu.memory_space<vmem>>) semaphore(%arg18 : memref<!tpu.dma_semaphore, #tpu.memory_space<semaphore_mem>>)
    %dma_start3A_5 = arith.constant 0 : i32
    %dma_start3A_6 = arith.constant 0 : i32
    %dma_start3A_7 = tpu.memref_slice %arg5[%dma_start3A_5, %dma_start3A_6] : memref<1000000x32xf32, #tpu.memory_space<hbm>> -> memref<1000000x32xf32, #tpu.memory_space<hbm>>
    tpu.enqueue_indirect_dma source(%dma_start3A_7 : memref<1000000x32xf32, #tpu.memory_space<hbm>>) target(%arg13 : memref<512x32xf32, #tpu.memory_space<vmem>>) offsets(%arg11 : memref<512xi32, #tpu.memory_space<vmem>>) semaphore(%arg18 : memref<!tpu.dma_semaphore, #tpu.memory_space<semaphore_mem>>)
    %dma_start3A_8 = arith.constant 0 : i32
    %dma_start3A_9 = tpu.memref_slice %arg6[%dma_start3A_8] : memref<1000000xf32, #tpu.memory_space<hbm>> -> memref<1000000xf32, #tpu.memory_space<hbm>>
    tpu.enqueue_indirect_dma source(%dma_start3A_9 : memref<1000000xf32, #tpu.memory_space<hbm>>) target(%arg14 : memref<512xf32, #tpu.memory_space<vmem>>) offsets(%arg10 : memref<512xi32, #tpu.memory_space<vmem>>) semaphore(%arg18 : memref<!tpu.dma_semaphore, #tpu.memory_space<semaphore_mem>>)
    %dma_start3A_10 = arith.constant 0 : i32
    %dma_start3A_11 = tpu.memref_slice %arg7[%dma_start3A_10] : memref<1000000xf32, #tpu.memory_space<hbm>> -> memref<1000000xf32, #tpu.memory_space<hbm>>
    tpu.enqueue_indirect_dma source(%dma_start3A_11 : memref<1000000xf32, #tpu.memory_space<hbm>>) target(%arg15 : memref<512xf32, #tpu.memory_space<vmem>>) offsets(%arg11 : memref<512xi32, #tpu.memory_space<vmem>>) semaphore(%arg18 : memref<!tpu.dma_semaphore, #tpu.memory_space<semaphore_mem>>)
    %dma_wait3A = arith.constant 0 : i32
    %dma_wait3A_12 = arith.constant 0 : i32
    %dma_wait3A_13 = tpu.memref_slice %arg4[%dma_wait3A, %dma_wait3A_12] : memref<1000000x32xf32, #tpu.memory_space<hbm>> -> memref<1000000x32xf32, #tpu.memory_space<hbm>>
    tpu.wait_indirect_dma semaphore(%arg18 : memref<!tpu.dma_semaphore, #tpu.memory_space<semaphore_mem>>) src(%dma_wait3A_13 : memref<1000000x32xf32, #tpu.memory_space<hbm>>) dst(%arg12 : memref<512x32xf32, #tpu.memory_space<vmem>>)
    %dma_wait3A_14 = arith.constant 0 : i32
    %dma_wait3A_15 = arith.constant 0 : i32
    %dma_wait3A_16 = tpu.memref_slice %arg5[%dma_wait3A_14, %dma_wait3A_15] : memref<1000000x32xf32, #tpu.memory_space<hbm>> -> memref<1000000x32xf32, #tpu.memory_space<hbm>>
    tpu.wait_indirect_dma semaphore(%arg18 : memref<!tpu.dma_semaphore, #tpu.memory_space<semaphore_mem>>) src(%dma_wait3A_16 : memref<1000000x32xf32, #tpu.memory_space<hbm>>) dst(%arg13 : memref<512x32xf32, #tpu.memory_space<vmem>>)
    %dma_wait3A_17 = arith.constant 0 : i32
    %dma_wait3A_18 = tpu.memref_slice %arg6[%dma_wait3A_17] : memref<1000000xf32, #tpu.memory_space<hbm>> -> memref<1000000xf32, #tpu.memory_space<hbm>>
    tpu.wait_indirect_dma semaphore(%arg18 : memref<!tpu.dma_semaphore, #tpu.memory_space<semaphore_mem>>) src(%dma_wait3A_18 : memref<1000000xf32, #tpu.memory_space<hbm>>) dst(%arg14 : memref<512xf32, #tpu.memory_space<vmem>>)
    %dma_wait3A_19 = arith.constant 0 : i32
    %dma_wait3A_20 = tpu.memref_slice %arg7[%dma_wait3A_19] : memref<1000000xf32, #tpu.memory_space<hbm>> -> memref<1000000xf32, #tpu.memory_space<hbm>>
    tpu.wait_indirect_dma semaphore(%arg18 : memref<!tpu.dma_semaphore, #tpu.memory_space<semaphore_mem>>) src(%dma_wait3A_20 : memref<1000000xf32, #tpu.memory_space<hbm>>) dst(%arg15 : memref<512xf32, #tpu.memory_space<vmem>>)
    %get3A = arith.constant 0 : index
    %get3A_21 = tpu.vector_load %arg17[%get3A] {strides = array<i32>} : memref<16xf32, #tpu.memory_space<vmem>>, vector<16xf32>,
    %iota3A = tpu.iota {dimensions = array<i32: 0>} : vector<16xi32>
    %scan3A = arith.constant 0 : i32
    %scan3A_22 = arith.constant 0 : i32
    %scan3A_23 = arith.constant 32 : i32
    %scan3A_24 = arith.addi %scan3A_22, %scan3A_23 : i32
    %scan3A_25 = arith.constant 1 : i32
    scf.for %scan3A_27 = %scan3A_22 to %scan3A_24 step %scan3A_25  : i32 {
      %mul3A_28 = arith.constant 16 : i32
      %mul3A_29 = arith.muli %scan3A_27, %mul3A_28 : i32
      %get3A_30 = arith.index_cast %mul3A_29 : i32 to index
      %get3A_31 = tpu.vector_load %arg14[%get3A_30] {strides = array<i32>} : memref<512xf32, #tpu.memory_space<vmem>>, vector<16xf32>,
      %get3A_32 = arith.index_cast %mul3A_29 : i32 to index
      %get3A_33 = tpu.vector_load %arg15[%get3A_32] {strides = array<i32>} : memref<512xf32, #tpu.memory_space<vmem>>, vector<16xf32>,
      %add3A_34 = arith.addf %get3A_31, %get3A_33 : vector<16xf32>
      %add3A_35 = arith.addf %add3A_34, %get3A_21 : vector<16xf32>
      %add3A_36 = vector.broadcast %mul3A_29 : i32 to vector<16xi32>
      %add3A_37 = arith.addi %iota3A, %add3A_36 : vector<16xi32>
      %broadcast_in_dim3A = arith.constant 0 : i32
      %broadcast_in_dim3A_38 = vector.broadcast %broadcast_in_dim3A : i32 to vector<16xi32>
      %gather3A = tpu.vector_load_idx %arg12[%add3A_37, %broadcast_in_dim3A_38] : memref<512x32xf32, #tpu.memory_space<vmem>>[vector<16xi32>, vector<16xi32>], vector<16xf32>,
      %gather3A_39 = tpu.vector_load_idx %arg13[%add3A_37, %broadcast_in_dim3A_38] : memref<512x32xf32, #tpu.memory_space<vmem>>[vector<16xi32>, vector<16xi32>], vector<16xf32>,
      %mul3A_40 = arith.mulf %gather3A, %gather3A_39 : vector<16xf32>
      %add3A_41 = arith.addf %add3A_35, %mul3A_40 : vector<16xf32>
      %broadcast_in_dim3A_42 = arith.constant 1 : i32
      %broadcast_in_dim3A_43 = vector.broadcast %broadcast_in_dim3A_42 : i32 to vector<16xi32>
      %gather3A_44 = tpu.vector_load_idx %arg12[%add3A_37, %broadcast_in_dim3A_43] : memref<512x32xf32, #tpu.memory_space<vmem>>[vector<16xi32>, vector<16xi32>], vector<16xf32>,
      %gather3A_45 = tpu.vector_load_idx %arg13[%add3A_37, %broadcast_in_dim3A_43] : memref<512x32xf32, #tpu.memory_space<vmem>>[vector<16xi32>, vector<16xi32>], vector<16xf32>,
      %mul3A_46 = arith.mulf %gather3A_44, %gather3A_45 : vector<16xf32>
      %add3A_47 = arith.addf %add3A_41, %mul3A_46 : vector<16xf32>
      %broadcast_in_dim3A_48 = arith.constant 2 : i32
      %broadcast_in_dim3A_49 = vector.broadcast %broadcast_in_dim3A_48 : i32 to vector<16xi32>
      %gather3A_50 = tpu.vector_load_idx %arg12[%add3A_37, %broadcast_in_dim3A_49] : memref<512x32xf32, #tpu.memory_space<vmem>>[vector<16xi32>, vector<16xi32>], vector<16xf32>,
      %gather3A_51 = tpu.vector_load_idx %arg13[%add3A_37, %broadcast_in_dim3A_49] : memref<512x32xf32, #tpu.memory_space<vmem>>[vector<16xi32>, vector<16xi32>], vector<16xf32>,
      %mul3A_52 = arith.mulf %gather3A_50, %gather3A_51 : vector<16xf32>
      %add3A_53 = arith.addf %add3A_47, %mul3A_52 : vector<16xf32>
      %broadcast_in_dim3A_54 = arith.constant 3 : i32
      %broadcast_in_dim3A_55 = vector.broadcast %broadcast_in_dim3A_54 : i32 to vector<16xi32>
      %gather3A_56 = tpu.vector_load_idx %arg12[%add3A_37, %broadcast_in_dim3A_55] : memref<512x32xf32, #tpu.memory_space<vmem>>[vector<16xi32>, vector<16xi32>], vector<16xf32>,
      %gather3A_57 = tpu.vector_load_idx %arg13[%add3A_37, %broadcast_in_dim3A_55] : memref<512x32xf32, #tpu.memory_space<vmem>>[vector<16xi32>, vector<16xi32>], vector<16xf32>,
      %mul3A_58 = arith.mulf %gather3A_56, %gather3A_57 : vector<16xf32>
      %add3A_59 = arith.addf %add3A_53, %mul3A_58 : vector<16xf32>
      %broadcast_in_dim3A_60 = arith.constant 4 : i32
      %broadcast_in_dim3A_61 = vector.broadcast %broadcast_in_dim3A_60 : i32 to vector<16xi32>
      %gather3A_62 = tpu.vector_load_idx %arg12[%add3A_37, %broadcast_in_dim3A_61] : memref<512x32xf32, #tpu.memory_space<vmem>>[vector<16xi32>, vector<16xi32>], vector<16xf32>,
      %gather3A_63 = tpu.vector_load_idx %arg13[%add3A_37, %broadcast_in_dim3A_61] : memref<512x32xf32, #tpu.memory_space<vmem>>[vector<16xi32>, vector<16xi32>], vector<16xf32>,
      %mul3A_64 = arith.mulf %gather3A_62, %gather3A_63 : vector<16xf32>
      %add3A_65 = arith.addf %add3A_59, %mul3A_64 : vector<16xf32>
      %broadcast_in_dim3A_66 = arith.constant 5 : i32
      %broadcast_in_dim3A_67 = vector.broadcast %broadcast_in_dim3A_66 : i32 to vector<16xi32>
      %gather3A_68 = tpu.vector_load_idx %arg12[%add3A_37, %broadcast_in_dim3A_67] : memref<512x32xf32, #tpu.memory_space<vmem>>[vector<16xi32>, vector<16xi32>], vector<16xf32>,
      %gather3A_69 = tpu.vector_load_idx %arg13[%add3A_37, %broadcast_in_dim3A_67] : memref<512x32xf32, #tpu.memory_space<vmem>>[vector<16xi32>, vector<16xi32>], vector<16xf32>,
      %mul3A_70 = arith.mulf %gather3A_68, %gather3A_69 : vector<16xf32>
      %add3A_71 = arith.addf %add3A_65, %mul3A_70 : vector<16xf32>
      %broadcast_in_dim3A_72 = arith.constant 6 : i32
      %broadcast_in_dim3A_73 = vector.broadcast %broadcast_in_dim3A_72 : i32 to vector<16xi32>
      %gather3A_74 = tpu.vector_load_idx %arg12[%add3A_37, %broadcast_in_dim3A_73] : memref<512x32xf32, #tpu.memory_space<vmem>>[vector<16xi32>, vector<16xi32>], vector<16xf32>,
      %gather3A_75 = tpu.vector_load_idx %arg13[%add3A_37, %broadcast_in_dim3A_73] : memref<512x32xf32, #tpu.memory_space<vmem>>[vector<16xi32>, vector<16xi32>], vector<16xf32>,
      %mul3A_76 = arith.mulf %gather3A_74, %gather3A_75 : vector<16xf32>
      %add3A_77 = arith.addf %add3A_71, %mul3A_76 : vector<16xf32>
      %broadcast_in_dim3A_78 = arith.constant 7 : i32
      %broadcast_in_dim3A_79 = vector.broadcast %broadcast_in_dim3A_78 : i32 to vector<16xi32>
      %gather3A_80 = tpu.vector_load_idx %arg12[%add3A_37, %broadcast_in_dim3A_79] : memref<512x32xf32, #tpu.memory_space<vmem>>[vector<16xi32>, vector<16xi32>], vector<16xf32>,
      %gather3A_81 = tpu.vector_load_idx %arg13[%add3A_37, %broadcast_in_dim3A_79] : memref<512x32xf32, #tpu.memory_space<vmem>>[vector<16xi32>, vector<16xi32>], vector<16xf32>,
      %mul3A_82 = arith.mulf %gather3A_80, %gather3A_81 : vector<16xf32>
      %add3A_83 = arith.addf %add3A_77, %mul3A_82 : vector<16xf32>
      %broadcast_in_dim3A_84 = arith.constant 8 : i32
      %broadcast_in_dim3A_85 = vector.broadcast %broadcast_in_dim3A_84 : i32 to vector<16xi32>
      %gather3A_86 = tpu.vector_load_idx %arg12[%add3A_37, %broadcast_in_dim3A_85] : memref<512x32xf32, #tpu.memory_space<vmem>>[vector<16xi32>, vector<16xi32>], vector<16xf32>,
      %gather3A_87 = tpu.vector_load_idx %arg13[%add3A_37, %broadcast_in_dim3A_85] : memref<512x32xf32, #tpu.memory_space<vmem>>[vector<16xi32>, vector<16xi32>], vector<16xf32>,
      %mul3A_88 = arith.mulf %gather3A_86, %gather3A_87 : vector<16xf32>
      %add3A_89 = arith.addf %add3A_83, %mul3A_88 : vector<16xf32>
      %broadcast_in_dim3A_90 = arith.constant 9 : i32
      %broadcast_in_dim3A_91 = vector.broadcast %broadcast_in_dim3A_90 : i32 to vector<16xi32>
      %gather3A_92 = tpu.vector_load_idx %arg12[%add3A_37, %broadcast_in_dim3A_91] : memref<512x32xf32, #tpu.memory_space<vmem>>[vector<16xi32>, vector<16xi32>], vector<16xf32>,
      %gather3A_93 = tpu.vector_load_idx %arg13[%add3A_37, %broadcast_in_dim3A_91] : memref<512x32xf32, #tpu.memory_space<vmem>>[vector<16xi32>, vector<16xi32>], vector<16xf32>,
      %mul3A_94 = arith.mulf %gather3A_92, %gather3A_93 : vector<16xf32>
      %add3A_95 = arith.addf %add3A_89, %mul3A_94 : vector<16xf32>
      %broadcast_in_dim3A_96 = arith.constant 10 : i32
      %broadcast_in_dim3A_97 = vector.broadcast %broadcast_in_dim3A_96 : i32 to vector<16xi32>
      %gather3A_98 = tpu.vector_load_idx %arg12[%add3A_37, %broadcast_in_dim3A_97] : memref<512x32xf32, #tpu.memory_space<vmem>>[vector<16xi32>, vector<16xi32>], vector<16xf32>,
      %gather3A_99 = tpu.vector_load_idx %arg13[%add3A_37, %broadcast_in_dim3A_97] : memref<512x32xf32, #tpu.memory_space<vmem>>[vector<16xi32>, vector<16xi32>], vector<16xf32>,
      %mul3A_100 = arith.mulf %gather3A_98, %gather3A_99 : vector<16xf32>
      %add3A_101 = arith.addf %add3A_95, %mul3A_100 : vector<16xf32>
      %broadcast_in_dim3A_102 = arith.constant 11 : i32
      %broadcast_in_dim3A_103 = vector.broadcast %broadcast_in_dim3A_102 : i32 to vector<16xi32>
      %gather3A_104 = tpu.vector_load_idx %arg12[%add3A_37, %broadcast_in_dim3A_103] : memref<512x32xf32, #tpu.memory_space<vmem>>[vector<16xi32>, vector<16xi32>], vector<16xf32>,
      %gather3A_105 = tpu.vector_load_idx %arg13[%add3A_37, %broadcast_in_dim3A_103] : memref<512x32xf32, #tpu.memory_space<vmem>>[vector<16xi32>, vector<16xi32>], vector<16xf32>,
      %mul3A_106 = arith.mulf %gather3A_104, %gather3A_105 : vector<16xf32>
      %add3A_107 = arith.addf %add3A_101, %mul3A_106 : vector<16xf32>
      %broadcast_in_dim3A_108 = arith.constant 12 : i32
      %broadcast_in_dim3A_109 = vector.broadcast %broadcast_in_dim3A_108 : i32 to vector<16xi32>
      %gather3A_110 = tpu.vector_load_idx %arg12[%add3A_37, %broadcast_in_dim3A_109] : memref<512x32xf32, #tpu.memory_space<vmem>>[vector<16xi32>, vector<16xi32>], vector<16xf32>,
      %gather3A_111 = tpu.vector_load_idx %arg13[%add3A_37, %broadcast_in_dim3A_109] : memref<512x32xf32, #tpu.memory_space<vmem>>[vector<16xi32>, vector<16xi32>], vector<16xf32>,
      %mul3A_112 = arith.mulf %gather3A_110, %gather3A_111 : vector<16xf32>
      %add3A_113 = arith.addf %add3A_107, %mul3A_112 : vector<16xf32>
      %broadcast_in_dim3A_114 = arith.constant 13 : i32
      %broadcast_in_dim3A_115 = vector.broadcast %broadcast_in_dim3A_114 : i32 to vector<16xi32>
      %gather3A_116 = tpu.vector_load_idx %arg12[%add3A_37, %broadcast_in_dim3A_115] : memref<512x32xf32, #tpu.memory_space<vmem>>[vector<16xi32>, vector<16xi32>], vector<16xf32>,
      %gather3A_117 = tpu.vector_load_idx %arg13[%add3A_37, %broadcast_in_dim3A_115] : memref<512x32xf32, #tpu.memory_space<vmem>>[vector<16xi32>, vector<16xi32>], vector<16xf32>,
      %mul3A_118 = arith.mulf %gather3A_116, %gather3A_117 : vector<16xf32>
      %add3A_119 = arith.addf %add3A_113, %mul3A_118 : vector<16xf32>
      %broadcast_in_dim3A_120 = arith.constant 14 : i32
      %broadcast_in_dim3A_121 = vector.broadcast %broadcast_in_dim3A_120 : i32 to vector<16xi32>
      %gather3A_122 = tpu.vector_load_idx %arg12[%add3A_37, %broadcast_in_dim3A_121] : memref<512x32xf32, #tpu.memory_space<vmem>>[vector<16xi32>, vector<16xi32>], vector<16xf32>,
      %gather3A_123 = tpu.vector_load_idx %arg13[%add3A_37, %broadcast_in_dim3A_121] : memref<512x32xf32, #tpu.memory_space<vmem>>[vector<16xi32>, vector<16xi32>], vector<16xf32>,
      %mul3A_124 = arith.mulf %gather3A_122, %gather3A_123 : vector<16xf32>
      %add3A_125 = arith.addf %add3A_119, %mul3A_124 : vector<16xf32>
      %broadcast_in_dim3A_126 = arith.constant 15 : i32
      %broadcast_in_dim3A_127 = vector.broadcast %broadcast_in_dim3A_126 : i32 to vector<16xi32>
      %gather3A_128 = tpu.vector_load_idx %arg12[%add3A_37, %broadcast_in_dim3A_127] : memref<512x32xf32, #tpu.memory_space<vmem>>[vector<16xi32>, vector<16xi32>], vector<16xf32>,
      %gather3A_129 = tpu.vector_load_idx %arg13[%add3A_37, %broadcast_in_dim3A_127] : memref<512x32xf32, #tpu.memory_space<vmem>>[vector<16xi32>, vector<16xi32>], vector<16xf32>,
      %mul3A_130 = arith.mulf %gather3A_128, %gather3A_129 : vector<16xf32>
      %add3A_131 = arith.addf %add3A_125, %mul3A_130 : vector<16xf32>
      %broadcast_in_dim3A_132 = arith.constant 16 : i32
      %broadcast_in_dim3A_133 = vector.broadcast %broadcast_in_dim3A_132 : i32 to vector<16xi32>
      %gather3A_134 = tpu.vector_load_idx %arg12[%add3A_37, %broadcast_in_dim3A_133] : memref<512x32xf32, #tpu.memory_space<vmem>>[vector<16xi32>, vector<16xi32>], vector<16xf32>,
      %gather3A_135 = tpu.vector_load_idx %arg13[%add3A_37, %broadcast_in_dim3A_133] : memref<512x32xf32, #tpu.memory_space<vmem>>[vector<16xi32>, vector<16xi32>], vector<16xf32>,
      %mul3A_136 = arith.mulf %gather3A_134, %gather3A_135 : vector<16xf32>
      %add3A_137 = arith.addf %add3A_131, %mul3A_136 : vector<16xf32>
      %broadcast_in_dim3A_138 = arith.constant 17 : i32
      %broadcast_in_dim3A_139 = vector.broadcast %broadcast_in_dim3A_138 : i32 to vector<16xi32>
      %gather3A_140 = tpu.vector_load_idx %arg12[%add3A_37, %broadcast_in_dim3A_139] : memref<512x32xf32, #tpu.memory_space<vmem>>[vector<16xi32>, vector<16xi32>], vector<16xf32>,
      %gather3A_141 = tpu.vector_load_idx %arg13[%add3A_37, %broadcast_in_dim3A_139] : memref<512x32xf32, #tpu.memory_space<vmem>>[vector<16xi32>, vector<16xi32>], vector<16xf32>,
      %mul3A_142 = arith.mulf %gather3A_140, %gather3A_141 : vector<16xf32>
      %add3A_143 = arith.addf %add3A_137, %mul3A_142 : vector<16xf32>
      %broadcast_in_dim3A_144 = arith.constant 18 : i32
      %broadcast_in_dim3A_145 = vector.broadcast %broadcast_in_dim3A_144 : i32 to vector<16xi32>
      %gather3A_146 = tpu.vector_load_idx %arg12[%add3A_37, %broadcast_in_dim3A_145] : memref<512x32xf32, #tpu.memory_space<vmem>>[vector<16xi32>, vector<16xi32>], vector<16xf32>,
      %gather3A_147 = tpu.vector_load_idx %arg13[%add3A_37, %broadcast_in_dim3A_145] : memref<512x32xf32, #tpu.memory_space<vmem>>[vector<16xi32>, vector<16xi32>], vector<16xf32>,
      %mul3A_148 = arith.mulf %gather3A_146, %gather3A_147 : vector<16xf32>
      %add3A_149 = arith.addf %add3A_143, %mul3A_148 : vector<16xf32>
      %broadcast_in_dim3A_150 = arith.constant 19 : i32
      %broadcast_in_dim3A_151 = vector.broadcast %broadcast_in_dim3A_150 : i32 to vector<16xi32>
      %gather3A_152 = tpu.vector_load_idx %arg12[%add3A_37, %broadcast_in_dim3A_151] : memref<512x32xf32, #tpu.memory_space<vmem>>[vector<16xi32>, vector<16xi32>], vector<16xf32>,
      %gather3A_153 = tpu.vector_load_idx %arg13[%add3A_37, %broadcast_in_dim3A_151] : memref<512x32xf32, #tpu.memory_space<vmem>>[vector<16xi32>, vector<16xi32>], vector<16xf32>,
      %mul3A_154 = arith.mulf %gather3A_152, %gather3A_153 : vector<16xf32>
      %add3A_155 = arith.addf %add3A_149, %mul3A_154 : vector<16xf32>
      %broadcast_in_dim3A_156 = arith.constant 20 : i32
      %broadcast_in_dim3A_157 = vector.broadcast %broadcast_in_dim3A_156 : i32 to vector<16xi32>
      %gather3A_158 = tpu.vector_load_idx %arg12[%add3A_37, %broadcast_in_dim3A_157] : memref<512x32xf32, #tpu.memory_space<vmem>>[vector<16xi32>, vector<16xi32>], vector<16xf32>,
      %gather3A_159 = tpu.vector_load_idx %arg13[%add3A_37, %broadcast_in_dim3A_157] : memref<512x32xf32, #tpu.memory_space<vmem>>[vector<16xi32>, vector<16xi32>], vector<16xf32>,
      %mul3A_160 = arith.mulf %gather3A_158, %gather3A_159 : vector<16xf32>
      %add3A_161 = arith.addf %add3A_155, %mul3A_160 : vector<16xf32>
      %broadcast_in_dim3A_162 = arith.constant 21 : i32
      %broadcast_in_dim3A_163 = vector.broadcast %broadcast_in_dim3A_162 : i32 to vector<16xi32>
      %gather3A_164 = tpu.vector_load_idx %arg12[%add3A_37, %broadcast_in_dim3A_163] : memref<512x32xf32, #tpu.memory_space<vmem>>[vector<16xi32>, vector<16xi32>], vector<16xf32>,
      %gather3A_165 = tpu.vector_load_idx %arg13[%add3A_37, %broadcast_in_dim3A_163] : memref<512x32xf32, #tpu.memory_space<vmem>>[vector<16xi32>, vector<16xi32>], vector<16xf32>,
      %mul3A_166 = arith.mulf %gather3A_164, %gather3A_165 : vector<16xf32>
      %add3A_167 = arith.addf %add3A_161, %mul3A_166 : vector<16xf32>
      %broadcast_in_dim3A_168 = arith.constant 22 : i32
      %broadcast_in_dim3A_169 = vector.broadcast %broadcast_in_dim3A_168 : i32 to vector<16xi32>
      %gather3A_170 = tpu.vector_load_idx %arg12[%add3A_37, %broadcast_in_dim3A_169] : memref<512x32xf32, #tpu.memory_space<vmem>>[vector<16xi32>, vector<16xi32>], vector<16xf32>,
      %gather3A_171 = tpu.vector_load_idx %arg13[%add3A_37, %broadcast_in_dim3A_169] : memref<512x32xf32, #tpu.memory_space<vmem>>[vector<16xi32>, vector<16xi32>], vector<16xf32>,
      %mul3A_172 = arith.mulf %gather3A_170, %gather3A_171 : vector<16xf32>
      %add3A_173 = arith.addf %add3A_167, %mul3A_172 : vector<16xf32>
      %broadcast_in_dim3A_174 = arith.constant 23 : i32
      %broadcast_in_dim3A_175 = vector.broadcast %broadcast_in_dim3A_174 : i32 to vector<16xi32>
      %gather3A_176 = tpu.vector_load_idx %arg12[%add3A_37, %broadcast_in_dim3A_175] : memref<512x32xf32, #tpu.memory_space<vmem>>[vector<16xi32>, vector<16xi32>], vector<16xf32>,
      %gather3A_177 = tpu.vector_load_idx %arg13[%add3A_37, %broadcast_in_dim3A_175] : memref<512x32xf32, #tpu.memory_space<vmem>>[vector<16xi32>, vector<16xi32>], vector<16xf32>,
      %mul3A_178 = arith.mulf %gather3A_176, %gather3A_177 : vector<16xf32>
      %add3A_179 = arith.addf %add3A_173, %mul3A_178 : vector<16xf32>
      %broadcast_in_dim3A_180 = arith.constant 24 : i32
      %broadcast_in_dim3A_181 = vector.broadcast %broadcast_in_dim3A_180 : i32 to vector<16xi32>
      %gather3A_182 = tpu.vector_load_idx %arg12[%add3A_37, %broadcast_in_dim3A_181] : memref<512x32xf32, #tpu.memory_space<vmem>>[vector<16xi32>, vector<16xi32>], vector<16xf32>,
      %gather3A_183 = tpu.vector_load_idx %arg13[%add3A_37, %broadcast_in_dim3A_181] : memref<512x32xf32, #tpu.memory_space<vmem>>[vector<16xi32>, vector<16xi32>], vector<16xf32>,
      %mul3A_184 = arith.mulf %gather3A_182, %gather3A_183 : vector<16xf32>
      %add3A_185 = arith.addf %add3A_179, %mul3A_184 : vector<16xf32>
      %broadcast_in_dim3A_186 = arith.constant 25 : i32
      %broadcast_in_dim3A_187 = vector.broadcast %broadcast_in_dim3A_186 : i32 to vector<16xi32>
      %gather3A_188 = tpu.vector_load_idx %arg12[%add3A_37, %broadcast_in_dim3A_187] : memref<512x32xf32, #tpu.memory_space<vmem>>[vector<16xi32>, vector<16xi32>], vector<16xf32>,
      %gather3A_189 = tpu.vector_load_idx %arg13[%add3A_37, %broadcast_in_dim3A_187] : memref<512x32xf32, #tpu.memory_space<vmem>>[vector<16xi32>, vector<16xi32>], vector<16xf32>,
      %mul3A_190 = arith.mulf %gather3A_188, %gather3A_189 : vector<16xf32>
      %add3A_191 = arith.addf %add3A_185, %mul3A_190 : vector<16xf32>
      %broadcast_in_dim3A_192 = arith.constant 26 : i32
      %broadcast_in_dim3A_193 = vector.broadcast %broadcast_in_dim3A_192 : i32 to vector<16xi32>
      %gather3A_194 = tpu.vector_load_idx %arg12[%add3A_37, %broadcast_in_dim3A_193] : memref<512x32xf32, #tpu.memory_space<vmem>>[vector<16xi32>, vector<16xi32>], vector<16xf32>,
      %gather3A_195 = tpu.vector_load_idx %arg13[%add3A_37, %broadcast_in_dim3A_193] : memref<512x32xf32, #tpu.memory_space<vmem>>[vector<16xi32>, vector<16xi32>], vector<16xf32>,
      %mul3A_196 = arith.mulf %gather3A_194, %gather3A_195 : vector<16xf32>
      %add3A_197 = arith.addf %add3A_191, %mul3A_196 : vector<16xf32>
      %broadcast_in_dim3A_198 = arith.constant 27 : i32
      %broadcast_in_dim3A_199 = vector.broadcast %broadcast_in_dim3A_198 : i32 to vector<16xi32>
      %gather3A_200 = tpu.vector_load_idx %arg12[%add3A_37, %broadcast_in_dim3A_199] : memref<512x32xf32, #tpu.memory_space<vmem>>[vector<16xi32>, vector<16xi32>], vector<16xf32>,
      %gather3A_201 = tpu.vector_load_idx %arg13[%add3A_37, %broadcast_in_dim3A_199] : memref<512x32xf32, #tpu.memory_space<vmem>>[vector<16xi32>, vector<16xi32>], vector<16xf32>,
      %mul3A_202 = arith.mulf %gather3A_200, %gather3A_201 : vector<16xf32>
      %add3A_203 = arith.addf %add3A_197, %mul3A_202 : vector<16xf32>
      %broadcast_in_dim3A_204 = arith.constant 28 : i32
      %broadcast_in_dim3A_205 = vector.broadcast %broadcast_in_dim3A_204 : i32 to vector<16xi32>
      %gather3A_206 = tpu.vector_load_idx %arg12[%add3A_37, %broadcast_in_dim3A_205] : memref<512x32xf32, #tpu.memory_space<vmem>>[vector<16xi32>, vector<16xi32>], vector<16xf32>,
      %gather3A_207 = tpu.vector_load_idx %arg13[%add3A_37, %broadcast_in_dim3A_205] : memref<512x32xf32, #tpu.memory_space<vmem>>[vector<16xi32>, vector<16xi32>], vector<16xf32>,
      %mul3A_208 = arith.mulf %gather3A_206, %gather3A_207 : vector<16xf32>
      %add3A_209 = arith.addf %add3A_203, %mul3A_208 : vector<16xf32>
      %broadcast_in_dim3A_210 = arith.constant 29 : i32
      %broadcast_in_dim3A_211 = vector.broadcast %broadcast_in_dim3A_210 : i32 to vector<16xi32>
      %gather3A_212 = tpu.vector_load_idx %arg12[%add3A_37, %broadcast_in_dim3A_211] : memref<512x32xf32, #tpu.memory_space<vmem>>[vector<16xi32>, vector<16xi32>], vector<16xf32>,
      %gather3A_213 = tpu.vector_load_idx %arg13[%add3A_37, %broadcast_in_dim3A_211] : memref<512x32xf32, #tpu.memory_space<vmem>>[vector<16xi32>, vector<16xi32>], vector<16xf32>,
      %mul3A_214 = arith.mulf %gather3A_212, %gather3A_213 : vector<16xf32>
      %add3A_215 = arith.addf %add3A_209, %mul3A_214 : vector<16xf32>
      %broadcast_in_dim3A_216 = arith.constant 30 : i32
      %broadcast_in_dim3A_217 = vector.broadcast %broadcast_in_dim3A_216 : i32 to vector<16xi32>
      %gather3A_218 = tpu.vector_load_idx %arg12[%add3A_37, %broadcast_in_dim3A_217] : memref<512x32xf32, #tpu.memory_space<vmem>>[vector<16xi32>, vector<16xi32>], vector<16xf32>,
      %gather3A_219 = tpu.vector_load_idx %arg13[%add3A_37, %broadcast_in_dim3A_217] : memref<512x32xf32, #tpu.memory_space<vmem>>[vector<16xi32>, vector<16xi32>], vector<16xf32>,
      %mul3A_220 = arith.mulf %gather3A_218, %gather3A_219 : vector<16xf32>
      %add3A_221 = arith.addf %add3A_215, %mul3A_220 : vector<16xf32>
      %broadcast_in_dim3A_222 = arith.constant 31 : i32
      %broadcast_in_dim3A_223 = vector.broadcast %broadcast_in_dim3A_222 : i32 to vector<16xi32>
      %gather3A_224 = tpu.vector_load_idx %arg12[%add3A_37, %broadcast_in_dim3A_223] : memref<512x32xf32, #tpu.memory_space<vmem>>[vector<16xi32>, vector<16xi32>], vector<16xf32>,
      %gather3A_225 = tpu.vector_load_idx %arg13[%add3A_37, %broadcast_in_dim3A_223] : memref<512x32xf32, #tpu.memory_space<vmem>>[vector<16xi32>, vector<16xi32>], vector<16xf32>,
      %mul3A_226 = arith.mulf %gather3A_224, %gather3A_225 : vector<16xf32>
      %add3A_227 = arith.addf %add3A_221, %mul3A_226 : vector<16xf32>
      %swap3A = arith.index_cast %mul3A_29 : i32 to index
      %swap3A_228 = tpu.vector_load %arg16[%swap3A] {strides = array<i32>} : memref<512xf32, #tpu.memory_space<vmem>>, vector<16xf32>,
      tpu.vector_store %arg16[%swap3A], %add3A_227 {strides = array<i32>} : memref<512xf32, #tpu.memory_space<vmem>>, vector<16xf32>,
    }
    %scan3A_26 = arith.constant 32 : i32
    "tpu.region"() ({
      %run_scoped3A = tpu.sem_alloc : memref<!tpu.dma_semaphore, #tpu.memory_space<semaphore_mem>>
      %dma_start3A_27 = tpu.memref_slice %arg9[%mul3A_2] : memref<16384xf32, #tpu.memory_space<hbm>> -> memref<512xf32, #tpu.memory_space<hbm>>
      %dma_start3A_28 = tpu.memref_slice %arg9[%mul3A_2] : memref<16384xf32, #tpu.memory_space<hbm>> -> memref<512xf32, #tpu.memory_space<hbm>>
      tpu.enqueue_dma source(%arg16 : memref<512xf32, #tpu.memory_space<vmem>>) target(%dma_start3A_28 : memref<512xf32, #tpu.memory_space<hbm>>) target_semaphore(%run_scoped3A : memref<!tpu.dma_semaphore, #tpu.memory_space<semaphore_mem>>)
      %dma_wait3A_29 = tpu.memref_slice %arg9[%mul3A_2] : memref<16384xf32, #tpu.memory_space<hbm>> -> memref<512xf32, #tpu.memory_space<hbm>>
      %dma_wait3A_30 = tpu.memref_slice %arg9[%mul3A_2] : memref<16384xf32, #tpu.memory_space<hbm>> -> memref<512xf32, #tpu.memory_space<hbm>>
      tpu.wait_dma2 semaphore(%run_scoped3A : memref<!tpu.dma_semaphore, #tpu.memory_space<semaphore_mem>>) src(%arg16 : memref<512xf32, #tpu.memory_space<vmem>>) dst(%dma_wait3A_30 : memref<512xf32, #tpu.memory_space<hbm>>)
      tpu.yield
    }) : () -> ()
    return
  }
}

</mosaic_0001>

<sc_bundles>
// kernel: kernel.3.cloned.1.call-start
scs
__scs_entry_jumppad:
0x0: {  	(pc) =	sbr.rel $0x88, $3  }
0x1: {  	(tag) =	ssettag $0x0;
	lr =	simm.s32 $0x1  }
0x2: {  	[smem:$0x3F9A] =	sst lr;
	_ =	strace $0xD0000000  }
0x3: {  	_ = 	snop  }
0x4: {  	_ = 	snop  }
0x5: {  	_ = 	snop  }
0x6: {  	_ = 	snop  }
0x7: {  	_ = 	snop  }
__scs_overlays_trampoline_lowered:
0x8: {  	[smem:$0x3FA9] =	sst s0  }
0x9: {  	[smem:$0x3FAA] =	sst s1  }
0xa: {  	[smem:$0x3FAB] =	sst s2  }
0xb: {  	[smem:$0x3FAC] =	sst s3  }
0xc: {  	[smem:$0x3FAD] =	sst s4  }
0xd: {  	[smem:$0x3FAE] =	sst s5  }
0xe: {  	[smem:$0x3FAF] =	sst s6  }
0xf: {  	[smem:$0x3FB0] =	sst s7  }
0x10: {  	[smem:$0x3FB1] =	sst s8  }
0x11: {  	[smem:$0x3FB2] =	sst s9;
	s0 =	simm.s32 @!p0 $0x0  }
0x12: {  	s1 =	sld [smem:$0x3F98];
	s0 =	simm.s32 @p0 $0x1  }
0x13: {  	[smem:$0x3FB3] =	sst s0;
	s0 =	simm.s32 @!p1 $0x0  }
0x14: {  	s2 =	sld [smem:$0x3F97];
	s0 =	simm.s32 @p1 $0x1  }
0x15: {  	[smem:$0x3FB4] =	sst s0;
	s0 =	simm.s32 @!p2 $0x0  }
0x16: {  	s3 =	sld [smem:$0x3FDB];
	s0 =	simm.s32 @p2 $0x1  }
0x17: {  	s4 =	simm.s32 $0x1BF5;
	[smem:$0x3FB6] =	sst s0  }
0x18: {  	s0 =	sld [smem:$0x3F99];
	_ =	swait.ge [sflag:s4], $0x0  }
0x19: {  	s7 =	sld [smem:$0x3F9A]  }
0x1a: {  	s8 =	sadd.s32 $0xFFFFE003, lr  }
0x1b: {  	s9 =	sadd.s32 $0xFFFFFEF7, lr;
	s5 =	simm.s32 $0xFFFFFFFF;
	p2 =	slt.u32 s8, $0xFFFFF086  }
0x1c: {  	p1 =	slt.u32 s9, $0xF7A;
	s5 =	simm.s32 @!p2 $0x0  }
0x1d: {  	s5 =	simm.s32 @p1 $0x1;
	p0 =	seq.s32 s7, s2  }
0x1e: {  	s7 =	smul.u32 @!p0 $0xF7A, s2;
	p2 =	seq.s32 @!p0 s5, $0x0  }
0x1f: {  	s9 =	smul.u32 $0xF7A, s1;
	s8 =	simm.s32 @!p0 $0x1BF5;
	p2 =	por !p2, p0  }
0x20: {  	[sflag:s8] =	ssyncset.s32 @!p0 $0xFFFFF086;
	s6 =	sadd.s32 @!p0 s3, s7;
	s7 =	simm.s32 @!p0 $0x108  }
0x21: {  	s3 =	sadd.s32 s3, s9;
	s6 =	sadd.s32 @!p0 $0x88, s6;
	s7 =	simm.s32 @p2 $0x1082  }
0x22: {  	[simem:s7], [sflag:s8] =	dma.local @!p0 [hbm:s6], $0xF7A  }
0x23: {  	s9 =	sor.u32 $0xD0000000, s2;
	s6 =	simm.s32 $0x108;
	_ =	swait.ge @!p0 [sflag:s8], $0x0  }
0x24: {  	s3 =	sadd.s32 $0x88, s3;
	s6 =	simm.s32 @!p1 $0x1082;
	[sflag:s4] =	ssyncset.s32 $0xFFFFF086  }
0x25: {  	[simem:s6], [sflag:s4] =	dma.local [hbm:s3], $0xF7A  }
0x26: {  	[smem:$0x3F9A] =	sst s1;
	(tag) =	ssettag s2;
	_ =	strace s9  }
0x27: {  	s1 =	sld [smem:$0x3FAA]  }
0x28: {  	s2 =	sld [smem:$0x3FAB]  }
0x29: {  	s4 =	sld [smem:$0x3FAD]  }
0x2a: {  	p0 =	seq.s32 s5, $0x0;
	s5 =	sld [smem:$0x3FAE]  }
0x2b: {  	s6 =	sld [smem:$0x3FAF]  }
0x2c: {  	s7 =	sld [smem:$0x3FB0]  }
0x2d: {  	s3 =	simm.s32 $0x108;
	s8 =	sld [smem:$0x3FB1]  }
0x2e: {  	s3 =	simm.s32 @!p0 $0x1082;
	s9 =	sld [smem:$0x3FB2]  }
0x2f: {  	lr =	sadd.s32 s0, s3;
	s0 =	sld [smem:$0x3FA9]  }
0x30: {  	s3 =	sld [smem:$0x3FAC]  }
0x31: {  	[smem:$0x3FB5] =	sst s10  }
0x32: {  	s10 =	sld [smem:$0x3FB3];
	_ =	sdelay $0x3  }
0x33: {  	p0 =	seq.s32 s10, $0x1;
	s10 =	sld [smem:$0x3FB5];
	_ =	sdelay $0x3  }
0x34: {  	[smem:$0x3FB5] =	sst s10  }
0x35: {  	s10 =	sld [smem:$0x3FB4];
	_ =	sdelay $0x3  }
0x36: {  	p1 =	seq.s32 s10, $0x1;
	s10 =	sld [smem:$0x3FB5];
	_ =	sdelay $0x3  }
0x37: {  	[smem:$0x3FB5] =	sst s10  }
0x38: {  	s10 =	sld [smem:$0x3FB6]  }
0x39: {  	_ = 	snop;
	(pc) =	sbr.ind lr, $3  }
0x3a: {  	_ = 	snop  }
0x3b: {  	_ = 	snop  }
0x3c: {  	p2 =	seq.s32 s10, $0x1;
	s10 =	sld [smem:$0x3FB5]  }
0x3d: {  	_ =	shalt  }
0x3e: {  	_ =	shalt  }
0x3f: {  	_ =	shalt  }
0x40: {  	_ =	shalt  }
0x41: {  	_ =	shalt  }
0x42: {  	_ =	shalt  }
0x43: {  	_ =	shalt  }
0x44: {  	_ =	shalt  }
0x45: {  	_ =	shalt  }
0x46: {  	_ =	shalt  }
0x47: {  	_ =	shalt  }
0x48: {  	_ =	shalt  }
0x49: {  	_ =	shalt  }
0x4a: {  	_ =	shalt  }
0x4b: {  	_ =	shalt  }
0x4c: {  	_ =	shalt  }
0x4d: {  	_ =	shalt  }
0x4e: {  	_ =	shalt  }
0x4f: {  	_ =	shalt  }
0x50: {  	_ =	shalt  }
0x51: {  	_ =	shalt  }
0x52: {  	_ =	shalt  }
0x53: {  	_ =	shalt  }
0x54: {  	_ =	shalt  }
0x55: {  	_ =	shalt  }
0x56: {  	_ =	shalt  }
0x57: {  	_ =	shalt  }
0x58: {  	_ =	shalt  }
0x59: {  	_ =	shalt  }
0x5a: {  	_ =	shalt  }
0x5b: {  	_ =	shalt  }
0x5c: {  	_ =	shalt  }
0x5d: {  	_ =	shalt  }
0x5e: {  	_ =	shalt  }
0x5f: {  	_ =	shalt  }
0x60: {  	_ =	shalt  }
0x61: {  	_ =	shalt  }
0x62: {  	_ =	shalt  }
0x63: {  	_ =	shalt  }
0x64: {  	_ =	shalt  }
0x65: {  	_ =	shalt  }
0x66: {  	_ =	shalt  }
0x67: {  	_ =	shalt  }
0x68: {  	_ =	shalt  }
0x69: {  	_ =	shalt  }
0x6a: {  	_ =	shalt  }
0x6b: {  	_ =	shalt  }
0x6c: {  	_ =	shalt  }
0x6d: {  	_ =	shalt  }
0x6e: {  	_ =	shalt  }
0x6f: {  	_ =	shalt  }
0x70: {  	_ =	shalt  }
0x71: {  	_ =	shalt  }
0x72: {  	_ =	shalt  }
0x73: {  	_ =	shalt  }
0x74: {  	_ =	shalt  }
0x75: {  	_ =	shalt  }
0x76: {  	_ =	shalt  }
0x77: {  	_ =	shalt  }
0x78: {  	_ =	shalt  }
0x79: {  	_ =	shalt  }
0x7a: {  	_ =	shalt  }
0x7b: {  	_ =	shalt  }
0x7c: {  	_ =	shalt  }
0x7d: {  	_ =	shalt  }
0x7e: {  	_ =	shalt  }
0x7f: {  	_ =	shalt  }
0x80: {  	_ =	shalt  }
0x81: {  	_ =	shalt  }
0x82: {  	_ =	shalt  }
0x83: {  	_ =	shalt  }
0x84: {  	_ =	shalt  }
0x85: {  	_ =	shalt  }
0x86: {  	_ =	shalt  }
0x87: {  	_ =	shalt  }
.Lfunc_end0:
.L_simem_size_0:
called_computation_lowered:
.L_overlay_start_0:
0x88: {  	s2 =	sld [smem:$0x3FD9]  }
0x89: {  	s3 =	sld [smem:$0x3FFE];
	_ =	sdelay $0x1  }
0x8a: {  	s1 =	srdreg.scid  }
0x8b: {  	s0 =	sand.u32 $0x1, s1  }
0x8c: {  	s17 =	sshll.u32 s0, $0xA;
	s2 =	sadd.s32 s3, s2  }
0x8d: {  	s2 =	sadd.s32 s2, s17  }
0x8e: {  	[smem:$0x3FC1] =	sst s2  }
0x8f: {  	_ = 	snop  }
0x90: {  	s2 =	sld [smem:$0x3FC9]  }
0x91: {  	s18 =	sld [smem:$0x3FC8]  }
0x92: {  	s4 =	sld [smem:$0x3FD0];
	(tm) =	ssettm $0x1  }
0x93: {  	s5 =	sld [smem:$0x3FFB];
	_ =	sdelay $0x3  }
0x94: {  	_ =	strace s5  }
0x95: {  	s5 =	sld [smem:$0x3FFC];
	_ =	sdelay $0x3  }
0x96: {  	_ =	strace s5  }
0x97: {  	s5 =	sld [smem:$0x3FFD];
	_ =	sdelay $0x3  }
0x98: {  	_ =	strace s5  }
0x99: {  	_ =	strace $0x8FFFFFFF  }
0x9a: {  	s19 =	sld [smem:$0x3FDB];
	_ =	sdelay $0x1  }
0x9b: {  	s6 =	simm.s32 $_scs_section_size  }
0x9c: {  	s7 =	simm.s32 $_size__tile_overlayer_lowered;
	s8 =	simm.s32 $_tile_overlayer_lowered  }
0x9d: {  	s22 =	simm.s32 $0x1BFF;
	s21 =	sshll.u32 s8, $0x1;
	s5 =	sadd.s32 s6, s19  }
0x9e: {  	s9 =	simm.s32 $0x0;
	s20 =	sshll.u32 s7, $0x1;
	s7 =	sadd.s32 s21, s5  }
0x9f: {  	[timem:s9], [sflag:s22] =	dma.local [hbm:s7], s20  }
0xa0: {  	_ =	swait.ge [sflag:s22], s20  }
0xa1: {  	s6 =	ssub.s32 $0x0, s20;
	[sflag:s22] =	ssyncset.done $0x0  }
0xa2: {  	[sflag:s22] =	ssyncadd.s32 s6;
	_ =	sdelay $0x1  }
0xa3: {  	s23 =	simm.s32 $0x1B8B  }
0xa4: {  	_ =	swait.ge [sflag:s23], $0x1  }
0xa5: {  	[sflag:s23] =	ssyncset.done $0x0  }
0xa6: {  	s25 =	simm.s32 $0x1B8E;
	s24 =	sld [smem:$0x3FFE];
	[sflag:s23] =	ssyncadd.s32 $0xFFFFFFFF  }
0xa7: {  	s26 =	simm.s32 $execute0_lowered;
	[smem:$0x3FD2] =	sst s25  }
0xa8: {  	s7 =	sshll.u32 s26, $0x1;
	_ =	strace $0x80000046;
	[dreg:$0x1] =	wrdreg $0xFFFFFFFF  }
0xa9: {  	s28 =	simm.s32 $_size_execute0_lowered;
	s5 =	sadd.s32 s5, s7;
	[dreg:$0x0] =	wrdreg $0x0  }
0xaa: {  	s7 =	sshll.u32 s28, $0x1;
	[dreg:$0x2] =	wrdreg s5  }
0xab: {  	[dreg:$0x3] =	wrdreg s7  }
0xac: {  	[dreg:$0x4] =	wrdreg $0xC0  }
0xad: {  	_ =	task [dreg:s9], $0x5FFFF  }
0xae: {  	[dreg:$0x1] =	wrdreg $0xFFFFFFFF  }
0xaf: {  	[dreg:$0x0] =	wrdreg $0x60  }
0xb0: {  	[dreg:$0x2] =	wrdreg s2  }
0xb1: {  	[dreg:$0x3] =	wrdreg s18  }
0xb2: {  	[dreg:$0x4] =	wrdreg s24  }
0xb3: {  	[dreg:$0x5] =	wrdreg s4  }
0xb4: {  	[dreg:$0x6] =	wrdreg $0x9  }
0xb5: {  	_ =	task.clear_ibuf [dreg:s9], $0x7FFFF;
	_ =	strace $0x90000046  }
0xb6: {  	s29 =	simm.s32 $0x9;
	_ =	strace $0x80000048  }
0xb7: {  	_ =	swait.ge [sflag:s29], $0x1  }
0xb8: {  	[sflag:s29] =	ssyncadd.s32 $0xFFFFFFFF  }
0xb9: {  	_ =	strace $0x90000048  }
0xba: {  	_ =	sfence  }
0xbb: {  	s30 =	sld [smem:$0x0];
	_ =	sdelay $0x2  }
0xbc: {  	s31 =	sshll.u32 s1, $0xD;
	s1 =	sshrl.u32 s1, $0x2  }
0xbd: {  	s3 =	sand.u32 $0x4000, s31;
	s1 =	sadd.s32 s1, s30  }
0xbe: {  	s0 =	sor.u32 s3, s0;
	s1 =	sshll.u32 s1, $0x11  }
0xbf: {  	s0 =	sor.u32 s1, s0  }
0xc0: {  	s0 =	sadd.s32 $0x8F2B, s0  }
0xc1: {  	[sflag:s0] =	ssyncadd.remote.s32 $0x1  }
0xc2: {  	_ =	sfence.sel $0xFFFF  }
0xc3: {  	[dreg:$0x0] =	wrdreg $0xFFFFFFFF;
	(pc) =	sbr.abs _section_cstart, $3  }
0xc4: {  	[dreg:$0x1] =	wrdreg $0xFFFFFFFF  }
0xc5: {  	_ =	task.clear_ibuf [dreg:s9], $0x2FFFF;
	_ =	strace $0x9FFFFFFF  }
0xc6: {  	(tm) =	ssettm $0x7FFFFFFF  }
0xc7: {  	_ =	shalt  }
tec
execute0_lowered:
.L_overlay_start_1:
0x0: {  	(tag) =	ssettag $0x1  }
0x1: {  	s8 =	rddreg [dreg:$0x0]  }
0x2: {  	s9 =	rddreg [dreg:$0x1]  }
0x3: {  	s1 =	rddreg [dreg:$0x2]  }
0x4: {  	s10 =	rddreg [dreg:$0x3]  }
0x5: {  	s0 =	rddreg [dreg:$0x4];
	s2 =	simm.s32 $0x0  }
0x6: {  	s3 =	srdreg.scid;
	s15 =	simm.s32 $0x400;
	s16 =	simm.s32 $0x4400  }
0x7: {  	s17 =	simm.s32 $0x1;
	s18 =	simm.s32 $0x8800;
	[smem:$0x7FF] =	sst s2  }
0x8: {  	s19 =	simm.s32 $0x0;
	s4 =	sadd.s32 $0x1312E00, s1;
	s5 =	sadd.s32 $0xF42400, s1  }
0x9: {  	s7 =	sand.u32 $0x1, s3;
	s6 =	sadd.s32 $0x1EA00, s1;
	s3 =	stileid.u32  }
0xa: {  	_ =	strace $0x80000047;
	s11 =	ssub.s32 $0x2, s7;
	s13 =	sshll.u32 s3, $0x7  }
0xb: {  	s14 =	sshll.u32 s7, $0x6;
	s7 =	sadd.s32 $0x3D400, s1;
	s12 =	sshrl.u32 s11, $0x1  }
0xc: {  	s31 =	sor.u32 s14, s13;
	s13 =	simm.s32 $0x200;
	s14 =	simm.s32 $0x8A00  }
0xd: {  	v0 =	vlaneseq.u32;
	s11 =	ssub.s32 s11, s12;
	s8 =	sadd.s32 s8, s31;
	s9 =	sadd.s32 s9, s31  }
0xe: {  	v0 =	vmul.u32 $0x20, v0;
	s10 =	sadd.s32 s10, s31;
	s12 =	simm.s32 $0x2;
	s11 =	smax.u32 s11, $0x1  }
.LBB2_1:
0xf: {  	[tilespmem:s2], [sflag:$0x2] =	stream.linear.gather [hbm4b:s8+s2], $0x200, $0x38;
	[tilespmem:$0x8A10] =	vst v63  }
0x10: {  	_ =	swait.ge [sflag:s12], $0x200  }
0x11: {  	[sflag:s12] =	ssyncset.done $0x0  }
0x12: {  	[sflag:s12] =	ssyncadd.s32 $0xFFFFFE00  }
0x13: {  	[tilespmem:s13], [sflag:$0x2] =	stream.linear.gather [hbm4b:s9+s2], $0x200, $0x38;
	[tilespmem:$0x8A10] =	vst v63  }
0x14: {  	_ =	swait.ge [sflag:s12], $0x200  }
0x15: {  	[sflag:s12] =	ssyncset.done $0x0  }
0x16: {  	[sflag:s12] =	ssyncadd.s32 $0xFFFFFE00  }
0x17: {  	[tilespmem:s14], [sflag:$0x2] =	stream.linear.gather [hbm4b:s7+s2], $0x10, $0x38;
	[tilespmem:$0x8A10] =	vst v63  }
0x18: {  	_ =	swait.ge [sflag:s12], $0x10  }
0x19: {  	[sflag:s12] =	ssyncset.done $0x0  }
0x1a: {  	[sflag:s12] =	ssyncadd.s32 $0xFFFFFFF0  }
0x1b: {  	[tilespmem:s15], [sflag:$0x1] =	stream.indirect.gather [hbm4b:s4+s13], $0x20, s2, s13, $0xb8;
	[tilespmem:$0x8A10] =	vst v63  }
0x1c: {  	_ = 	snop  }
0x1d: {  	[tilespmem:s16], [sflag:$0x1] =	stream.indirect.gather [hbm4b:s5+s13], $0x20, s13, s13, $0xb8;
	[tilespmem:$0x8A10] =	vst v63  }
0x1e: {  	s20 =	simm.s32 $0x8400  }
0x1f: {  	[tilespmem:s20], [sflag:$0x1] =	stream.indirect.gather [hbm4b:s6+s13], $0x1, s2, s13, $0xb8;
	[tilespmem:$0x8A10] =	vst v63  }
0x20: {  	s21 =	simm.s32 $0x8600  }
0x21: {  	[tilespmem:s21], [sflag:$0x1] =	stream.indirect.gather [hbm4b:s1+s13], $0x1, s13, s13, $0xb8;
	[tilespmem:$0x8A10] =	vst v63  }
0x22: {  	_ =	swait.ge [sflag:s17], $0x4000  }
0x23: {  	[sflag:s17] =	ssyncset.done $0x0  }
0x24: {  	[sflag:s17] =	ssyncadd.s32 $0xFFFFC000  }
0x25: {  	_ =	swait.ge [sflag:s17], $0x4000  }
0x26: {  	[sflag:s17] =	ssyncset.done $0x0  }
0x27: {  	[sflag:s17] =	ssyncadd.s32 $0xFFFFC000  }
0x28: {  	_ =	swait.ge [sflag:s17], $0x200  }
0x29: {  	[sflag:s17] =	ssyncset.done $0x0  }
0x2a: {  	v1 =	vmov s2;
	[sflag:s17] =	ssyncadd.s32 $0xFFFFFE00  }
0x2b: {  	v1 =	vshll.u32 v1, $0x5;
	_ =	swait.ge [sflag:s17], $0x200  }
0x2c: {  	v2 =	vor.u32 v0, v1;
	[sflag:s17] =	ssyncset.done $0x0  }
0x2d: {  	[sflag:s17] =	ssyncadd.s32 $0xFFFFFE00  }
0x2e: {  	v3 =	vor.u32 $0x1, v2;
	v1 =	vld [tilespmem:$0x8A00]  }
0x2f: {  	v4 =	vld [tilespmem:s21+$0x0]  }
0x30: {  	v5 =	vor.u32 $0x2, v2;
	v6 =	vld [tilespmem:s20+$0x0]  }
0x31: {  	v7 =	vld.idx.msk [tilespmem:v2+s15+$0x0], $0xffff  }
0x32: {  	v9 =	vor.u32 $0x3, v2;
	v8 =	vld.idx.msk [tilespmem:v2+s16+$0x0], $0xffff  }
0x33: {  	v10 =	vld.idx.msk [tilespmem:v3+s15+$0x0], $0xffff  }
0x34: {  	v11 =	vor.u32 $0x4, v2;
	v3 =	vld.idx.msk [tilespmem:v3+s16+$0x0], $0xffff  }
0x35: {  	v12 =	vld.idx.msk [tilespmem:v5+s15+$0x0], $0xffff;
	v4 =	vadd.f32 v4, v6  }
0x36: {  	v5 =	vld.idx.msk [tilespmem:v5+s16+$0x0], $0xffff;
	v6 =	vor.u32 $0x5, v2  }
0x37: {  	v13 =	vld.idx.msk [tilespmem:v9+s15+$0x0], $0xffff;
	v7 =	vmul.f32 v8, v7;
	v4 =	vadd.f32 v4, v1  }
0x38: {  	v48 =	vor.u32 $0x6, v2;
	v47 =	vld.idx.msk [tilespmem:v9+s16+$0x0], $0xffff  }
0x39: {  	v14 =	vld.idx.msk [tilespmem:v11+s15+$0x0], $0xffff;
	v3 =	vmul.f32 v3, v10;
	v4 =	vadd.f32 v7, v4  }
0x3a: {  	v49 =	vor.u32 $0x7, v2;
	v7 =	vld.idx.msk [tilespmem:v11+s16+$0x0], $0xffff  }
0x3b: {  	v50 =	vld.idx.msk [tilespmem:v6+s15+$0x0], $0xffff;
	v3 =	vadd.f32 v3, v4;
	v4 =	vmul.f32 v5, v12  }
0x3c: {  	v5 =	vld.idx.msk [tilespmem:v6+s16+$0x0], $0xffff;
	v6 =	vor.u32 $0x8, v2  }
0x3d: {  	v51 =	vld.idx.msk [tilespmem:v48+s15+$0x0], $0xffff;
	v3 =	vadd.f32 v4, v3;
	v4 =	vmul.f32 v47, v13  }
0x3e: {  	v53 =	vor.u32 $0x9, v2;
	v52 =	vld.idx.msk [tilespmem:v48+s16+$0x0], $0xffff  }
0x3f: {  	v54 =	vld.idx.msk [tilespmem:v49+s15+$0x0], $0xffff;
	v3 =	vadd.f32 v4, v3;
	v4 =	vmul.f32 v7, v14  }
0x40: {  	v55 =	vor.u32 $0xA, v2;
	v7 =	vld.idx.msk [tilespmem:v49+s16+$0x0], $0xffff  }
0x41: {  	v56 =	vld.idx.msk [tilespmem:v6+s15+$0x0], $0xffff;
	v3 =	vadd.f32 v4, v3;
	v4 =	vmul.f32 v5, v50  }
0x42: {  	v5 =	vld.idx.msk [tilespmem:v6+s16+$0x0], $0xffff;
	v6 =	vor.u32 $0xB, v2  }
0x43: {  	v57 =	vld.idx.msk [tilespmem:v53+s15+$0x0], $0xffff;
	v3 =	vadd.f32 v4, v3;
	v4 =	vmul.f32 v52, v51  }
0x44: {  	v59 =	vor.u32 $0xC, v2;
	v58 =	vld.idx.msk [tilespmem:v53+s16+$0x0], $0xffff  }
0x45: {  	v60 =	vld.idx.msk [tilespmem:v55+s15+$0x0], $0xffff;
	v3 =	vadd.f32 v4, v3;
	v4 =	vmul.f32 v7, v54  }
0x46: {  	v61 =	vor.u32 $0xD, v2;
	v7 =	vld.idx.msk [tilespmem:v55+s16+$0x0], $0xffff  }
0x47: {  	v62 =	vld.idx.msk [tilespmem:v6+s15+$0x0], $0xffff;
	v3 =	vadd.f32 v4, v3;
	v4 =	vmul.f32 v5, v56  }
0x48: {  	v5 =	vld.idx.msk [tilespmem:v6+s16+$0x0], $0xffff;
	v6 =	vor.u32 $0xE, v2  }
0x49: {  	v63 =	vld.idx.msk [tilespmem:v59+s15+$0x0], $0xffff;
	v3 =	vadd.f32 v4, v3;
	v4 =	vmul.f32 v58, v57  }
0x4a: {  	v17 =	vor.u32 $0xF, v2;
	v16 =	vld.idx.msk [tilespmem:v59+s16+$0x0], $0xffff  }
0x4b: {  	v18 =	vld.idx.msk [tilespmem:v61+s15+$0x0], $0xffff;
	v3 =	vadd.f32 v4, v3;
	v4 =	vmul.f32 v7, v60  }
0x4c: {  	v19 =	vor.u32 $0x10, v2;
	v7 =	vld.idx.msk [tilespmem:v61+s16+$0x0], $0xffff  }
0x4d: {  	v20 =	vld.idx.msk [tilespmem:v6+s15+$0x0], $0xffff;
	v3 =	vadd.f32 v4, v3;
	v4 =	vmul.f32 v5, v62  }
0x4e: {  	v5 =	vld.idx.msk [tilespmem:v6+s16+$0x0], $0xffff;
	v6 =	vor.u32 $0x11, v2  }
0x4f: {  	v21 =	vld.idx.msk [tilespmem:v17+s15+$0x0], $0xffff;
	v3 =	vadd.f32 v4, v3;
	v4 =	vmul.f32 v16, v63  }
0x50: {  	v23 =	vor.u32 $0x12, v2;
	v22 =	vld.idx.msk [tilespmem:v17+s16+$0x0], $0xffff  }
0x51: {  	v24 =	vld.idx.msk [tilespmem:v19+s15+$0x0], $0xffff;
	v3 =	vadd.f32 v4, v3;
	v4 =	vmul.f32 v7, v18  }
0x52: {  	v25 =	vor.u32 $0x13, v2;
	v7 =	vld.idx.msk [tilespmem:v19+s16+$0x0], $0xffff  }
0x53: {  	v26 =	vld.idx.msk [tilespmem:v6+s15+$0x0], $0xffff;
	v3 =	vadd.f32 v4, v3;
	v4 =	vmul.f32 v5, v20  }
0x54: {  	v5 =	vld.idx.msk [tilespmem:v6+s16+$0x0], $0xffff;
	v6 =	vor.u32 $0x14, v2  }
0x55: {  	v27 =	vld.idx.msk [tilespmem:v23+s15+$0x0], $0xffff;
	v3 =	vadd.f32 v4, v3;
	v4 =	vmul.f32 v22, v21  }
0x56: {  	v29 =	vor.u32 $0x15, v2;
	v28 =	vld.idx.msk [tilespmem:v23+s16+$0x0], $0xffff  }
0x57: {  	v30 =	vld.idx.msk [tilespmem:v25+s15+$0x0], $0xffff;
	v3 =	vadd.f32 v4, v3;
	v4 =	vmul.f32 v7, v24  }
0x58: {  	v31 =	vor.u32 $0x16, v2;
	v7 =	vld.idx.msk [tilespmem:v25+s16+$0x0], $0xffff  }
0x59: {  	v32 =	vld.idx.msk [tilespmem:v6+s15+$0x0], $0xffff;
	v3 =	vadd.f32 v4, v3;
	v4 =	vmul.f32 v5, v26  }
0x5a: {  	v5 =	vld.idx.msk [tilespmem:v6+s16+$0x0], $0xffff;
	v6 =	vor.u32 $0x17, v2  }
0x5b: {  	v33 =	vld.idx.msk [tilespmem:v29+s15+$0x0], $0xffff;
	v3 =	vadd.f32 v4, v3;
	v4 =	vmul.f32 v28, v27  }
0x5c: {  	v35 =	vor.u32 $0x18, v2;
	v34 =	vld.idx.msk [tilespmem:v29+s16+$0x0], $0xffff  }
0x5d: {  	v36 =	vld.idx.msk [tilespmem:v31+s15+$0x0], $0xffff;
	v3 =	vadd.f32 v4, v3;
	v4 =	vmul.f32 v7, v30  }
0x5e: {  	v37 =	vor.u32 $0x19, v2;
	v7 =	vld.idx.msk [tilespmem:v31+s16+$0x0], $0xffff  }
0x5f: {  	v38 =	vld.idx.msk [tilespmem:v6+s15+$0x0], $0xffff;
	v3 =	vadd.f32 v4, v3;
	v4 =	vmul.f32 v5, v32  }
0x60: {  	v5 =	vld.idx.msk [tilespmem:v6+s16+$0x0], $0xffff;
	v6 =	vor.u32 $0x1A, v2  }
0x61: {  	v39 =	vld.idx.msk [tilespmem:v35+s15+$0x0], $0xffff;
	v3 =	vadd.f32 v4, v3;
	v4 =	vmul.f32 v34, v33  }
0x62: {  	v41 =	vor.u32 $0x1B, v2;
	v40 =	vld.idx.msk [tilespmem:v35+s16+$0x0], $0xffff  }
0x63: {  	v42 =	vld.idx.msk [tilespmem:v37+s15+$0x0], $0xffff;
	v3 =	vadd.f32 v4, v3;
	v4 =	vmul.f32 v7, v36  }
0x64: {  	v43 =	vor.u32 $0x1C, v2;
	v7 =	vld.idx.msk [tilespmem:v37+s16+$0x0], $0xffff  }
0x65: {  	v44 =	vld.idx.msk [tilespmem:v6+s15+$0x0], $0xffff;
	v3 =	vadd.f32 v4, v3;
	v4 =	vmul.f32 v5, v38  }
0x66: {  	v5 =	vld.idx.msk [tilespmem:v6+s16+$0x0], $0xffff;
	v6 =	vor.u32 $0x1D, v2  }
0x67: {  	v45 =	vld.idx.msk [tilespmem:v41+s15+$0x0], $0xffff;
	v3 =	vadd.f32 v4, v3;
	v4 =	vmul.f32 v40, v39  }
0x68: {  	v46 =	vld.idx.msk [tilespmem:v41+s16+$0x0], $0xffff;
	v47 =	vor.u32 $0x1E, v2  }
0x69: {  	v48 =	vld.idx.msk [tilespmem:v43+s15+$0x0], $0xffff;
	v3 =	vadd.f32 v4, v3;
	v4 =	vmul.f32 v7, v42  }
0x6a: {  	v2 =	vor.u32 $0x1F, v2;
	v7 =	vld.idx.msk [tilespmem:v43+s16+$0x0], $0xffff  }
0x6b: {  	v49 =	vld.idx.msk [tilespmem:v6+s15+$0x0], $0xffff;
	v3 =	vadd.f32 v4, v3;
	v4 =	vmul.f32 v5, v44  }
0x6c: {  	v5 =	vld.idx.msk [tilespmem:v6+s16+$0x0], $0xffff  }
0x6d: {  	v50 =	vld.idx.msk [tilespmem:v47+s16+$0x0], $0xffff;
	v3 =	vadd.f32 v4, v3;
	v4 =	vmul.f32 v46, v45  }
0x6e: {  	v6 =	vld.idx.msk [tilespmem:v47+s15+$0x0], $0xffff  }
0x6f: {  	v51 =	vld.idx.msk [tilespmem:v2+s15+$0x0], $0xffff;
	v3 =	vadd.f32 v4, v3;
	v4 =	vmul.f32 v7, v48  }
0x70: {  	v2 =	vld.idx.msk [tilespmem:v2+s16+$0x0], $0xffff  }
0x71: {  	v3 =	vadd.f32 v4, v3;
	v4 =	vmul.f32 v5, v49;
	_ =	sdelay $0x1  }
0x72: {  	v3 =	vadd.f32 v4, v3;
	v4 =	vmul.f32 v50, v6  }
0x73: {  	s31 =	simm.s32 $0x10  }
0x74: {  	v5 =	vmov s31;
	v3 =	vadd.f32 v4, v3;
	v4 =	vmul.f32 v2, v51  }
0x75: {  	v2 =	vshll.u32 v5, $0x5  }
0x76: {  	v2 =	vor.u32 v0, v2;
	v3 =	vadd.f32 v4, v3;
	_ =	sdelay $0x1  }
0x77: {  	s20 =	simm.s32 $0x8610;
	v4 =	vor.u32 $0x1, v2;
	[tilespmem:s18+$0x0] =	vst v3  }
0x78: {  	s21 =	simm.s32 $0x8410;
	v3 =	vld [tilespmem:s20+$0x0]  }
0x79: {  	v5 =	vor.u32 $0x2, v2;
	v6 =	vld [tilespmem:s21+$0x0]  }
0x7a: {  	v7 =	vld.idx.msk [tilespmem:v2+s15+$0x0], $0xffff  }
0x7b: {  	v53 =	vor.u32 $0x3, v2;
	v52 =	vld.idx.msk [tilespmem:v2+s16+$0x0], $0xffff  }
0x7c: {  	v54 =	vld.idx.msk [tilespmem:v4+s15+$0x0], $0xffff  }
0x7d: {  	v55 =	vor.u32 $0x4, v2;
	v4 =	vld.idx.msk [tilespmem:v4+s16+$0x0], $0xffff  }
0x7e: {  	v56 =	vld.idx.msk [tilespmem:v5+s15+$0x0], $0xffff;
	v3 =	vadd.f32 v3, v6  }
0x7f: {  	v5 =	vld.idx.msk [tilespmem:v5+s16+$0x0], $0xffff;
	v6 =	vor.u32 $0x5, v2  }
0x80: {  	v57 =	vld.idx.msk [tilespmem:v53+s15+$0x0], $0xffff;
	v7 =	vmul.f32 v52, v7;
	v3 =	vadd.f32 v3, v1  }
0x81: {  	v59 =	vor.u32 $0x6, v2;
	v58 =	vld.idx.msk [tilespmem:v53+s16+$0x0], $0xffff  }
0x82: {  	v60 =	vld.idx.msk [tilespmem:v55+s15+$0x0], $0xffff;
	v4 =	vmul.f32 v4, v54;
	v3 =	vadd.f32 v7, v3  }
0x83: {  	v61 =	vor.u32 $0x7, v2;
	v7 =	vld.idx.msk [tilespmem:v55+s16+$0x0], $0xffff  }
0x84: {  	v62 =	vld.idx.msk [tilespmem:v6+s15+$0x0], $0xffff;
	v3 =	vadd.f32 v4, v3;
	v4 =	vmul.f32 v5, v56  }
0x85: {  	v5 =	vld.idx.msk [tilespmem:v6+s16+$0x0], $0xffff;
	v6 =	vor.u32 $0x8, v2  }
0x86: {  	v63 =	vld.idx.msk [tilespmem:v59+s15+$0x0], $0xffff;
	v3 =	vadd.f32 v4, v3;
	v4 =	vmul.f32 v58, v57  }
0x87: {  	v17 =	vor.u32 $0x9, v2;
	v16 =	vld.idx.msk [tilespmem:v59+s16+$0x0], $0xffff  }
0x88: {  	v18 =	vld.idx.msk [tilespmem:v61+s15+$0x0], $0xffff;
	v3 =	vadd.f32 v4, v3;
	v4 =	vmul.f32 v7, v60  }
0x89: {  	v19 =	vor.u32 $0xA, v2;
	v7 =	vld.idx.msk [tilespmem:v61+s16+$0x0], $0xffff  }
0x8a: {  	v20 =	vld.idx.msk [tilespmem:v6+s15+$0x0], $0xffff;
	v3 =	vadd.f32 v4, v3;
	v4 =	vmul.f32 v5, v62  }
0x8b: {  	v5 =	vld.idx.msk [tilespmem:v6+s16+$0x0], $0xffff;
	v6 =	vor.u32 $0xB, v2  }
0x8c: {  	v21 =	vld.idx.msk [tilespmem:v17+s15+$0x0], $0xffff;
	v3 =	vadd.f32 v4, v3;
	v4 =	vmul.f32 v16, v63  }
0x8d: {  	v23 =	vor.u32 $0xC, v2;
	v22 =	vld.idx.msk [tilespmem:v17+s16+$0x0], $0xffff  }
0x8e: {  	v24 =	vld.idx.msk [tilespmem:v19+s15+$0x0], $0xffff;
	v3 =	vadd.f32 v4, v3;
	v4 =	vmul.f32 v7, v18  }
0x8f: {  	v25 =	vor.u32 $0xD, v2;
	v7 =	vld.idx.msk [tilespmem:v19+s16+$0x0], $0xffff  }
0x90: {  	v26 =	vld.idx.msk [tilespmem:v6+s15+$0x0], $0xffff;
	v3 =	vadd.f32 v4, v3;
	v4 =	vmul.f32 v5, v20  }
0x91: {  	v5 =	vld.idx.msk [tilespmem:v6+s16+$0x0], $0xffff;
	v6 =	vor.u32 $0xE, v2  }
0x92: {  	v27 =	vld.idx.msk [tilespmem:v23+s15+$0x0], $0xffff;
	v3 =	vadd.f32 v4, v3;
	v4 =	vmul.f32 v22, v21  }
0x93: {  	v29 =	vor.u32 $0xF, v2;
	v28 =	vld.idx.msk [tilespmem:v23+s16+$0x0], $0xffff  }
0x94: {  	v30 =	vld.idx.msk [tilespmem:v25+s15+$0x0], $0xffff;
	v3 =	vadd.f32 v4, v3;
	v4 =	vmul.f32 v7, v24  }
0x95: {  	v31 =	vor.u32 $0x10, v2;
	v7 =	vld.idx.msk [tilespmem:v25+s16+$0x0], $0xffff  }
0x96: {  	v32 =	vld.idx.msk [tilespmem:v6+s15+$0x0], $0xffff;
	v3 =	vadd.f32 v4, v3;
	v4 =	vmul.f32 v5, v26  }
0x97: {  	v5 =	vld.idx.msk [tilespmem:v6+s16+$0x0], $0xffff;
	v6 =	vor.u32 $0x11, v2  }
0x98: {  	v33 =	vld.idx.msk [tilespmem:v29+s15+$0x0], $0xffff;
	v3 =	vadd.f32 v4, v3;
	v4 =	vmul.f32 v28, v27  }
0x99: {  	v35 =	vor.u32 $0x12, v2;
	v34 =	vld.idx.msk [tilespmem:v29+s16+$0x0], $0xffff  }
0x9a: {  	v36 =	vld.idx.msk [tilespmem:v31+s15+$0x0], $0xffff;
	v3 =	vadd.f32 v4, v3;
	v4 =	vmul.f32 v7, v30  }
0x9b: {  	v37 =	vor.u32 $0x13, v2;
	v7 =	vld.idx.msk [tilespmem:v31+s16+$0x0], $0xffff  }
0x9c: {  	v38 =	vld.idx.msk [tilespmem:v6+s15+$0x0], $0xffff;
	v3 =	vadd.f32 v4, v3;
	v4 =	vmul.f32 v5, v32  }
0x9d: {  	v5 =	vld.idx.msk [tilespmem:v6+s16+$0x0], $0xffff;
	v6 =	vor.u32 $0x14, v2  }
0x9e: {  	v39 =	vld.idx.msk [tilespmem:v35+s15+$0x0], $0xffff;
	v3 =	vadd.f32 v4, v3;
	v4 =	vmul.f32 v34, v33  }
0x9f: {  	v41 =	vor.u32 $0x15, v2;
	v40 =	vld.idx.msk [tilespmem:v35+s16+$0x0], $0xffff  }
0xa0: {  	v42 =	vld.idx.msk [tilespmem:v37+s15+$0x0], $0xffff;
	v3 =	vadd.f32 v4, v3;
	v4 =	vmul.f32 v7, v36  }
0xa1: {  	v43 =	vor.u32 $0x16, v2;
	v7 =	vld.idx.msk [tilespmem:v37+s16+$0x0], $0xffff  }
0xa2: {  	v44 =	vld.idx.msk [tilespmem:v6+s15+$0x0], $0xffff;
	v3 =	vadd.f32 v4, v3;
	v4 =	vmul.f32 v5, v38  }
0xa3: {  	v5 =	vld.idx.msk [tilespmem:v6+s16+$0x0], $0xffff;
	v6 =	vor.u32 $0x17, v2  }
0xa4: {  	v45 =	vld.idx.msk [tilespmem:v41+s15+$0x0], $0xffff;
	v3 =	vadd.f32 v4, v3;
	v4 =	vmul.f32 v40, v39  }
0xa5: {  	v47 =	vor.u32 $0x18, v2;
	v46 =	vld.idx.msk [tilespmem:v41+s16+$0x0], $0xffff  }
0xa6: {  	v48 =	vld.idx.msk [tilespmem:v43+s15+$0x0], $0xffff;
	v3 =	vadd.f32 v4, v3;
	v4 =	vmul.f32 v7, v42  }
0xa7: {  	v49 =	vor.u32 $0x19, v2;
	v7 =	vld.idx.msk [tilespmem:v43+s16+$0x0], $0xffff  }
0xa8: {  	v50 =	vld.idx.msk [tilespmem:v6+s15+$0x0], $0xffff;
	v3 =	vadd.f32 v4, v3;
	v4 =	vmul.f32 v5, v44  }
0xa9: {  	v5 =	vld.idx.msk [tilespmem:v6+s16+$0x0], $0xffff;
	v6 =	vor.u32 $0x1A, v2  }
0xaa: {  	v51 =	vld.idx.msk [tilespmem:v47+s15+$0x0], $0xffff;
	v3 =	vadd.f32 v4, v3;
	v4 =	vmul.f32 v46, v45  }
0xab: {  	v53 =	vor.u32 $0x1B, v2;
	v52 =	vld.idx.msk [tilespmem:v47+s16+$0x0], $0xffff  }
0xac: {  	v54 =	vld.idx.msk [tilespmem:v49+s15+$0x0], $0xffff;
	v3 =	vadd.f32 v4, v3;
	v4 =	vmul.f32 v7, v48  }
0xad: {  	v55 =	vor.u32 $0x1C, v2;
	v7 =	vld.idx.msk [tilespmem:v49+s16+$0x0], $0xffff  }
0xae: {  	v56 =	vld.idx.msk [tilespmem:v6+s15+$0x0], $0xffff;
	v3 =	vadd.f32 v4, v3;
	v4 =	vmul.f32 v5, v50  }
0xaf: {  	v5 =	vld.idx.msk [tilespmem:v6+s16+$0x0], $0xffff;
	v6 =	vor.u32 $0x1D, v2  }
0xb0: {  	v57 =	vld.idx.msk [tilespmem:v53+s15+$0x0], $0xffff;
	v3 =	vadd.f32 v4, v3;
	v4 =	vmul.f32 v52, v51  }
0xb1: {  	v59 =	vor.u32 $0x1E, v2;
	v58 =	vld.idx.msk [tilespmem:v53+s16+$0x0], $0xffff  }
0xb2: {  	v60 =	vld.idx.msk [tilespmem:v55+s15+$0x0], $0xffff;
	v3 =	vadd.f32 v4, v3;
	v4 =	vmul.f32 v7, v54  }
0xb3: {  	v2 =	vor.u32 $0x1F, v2;
	v7 =	vld.idx.msk [tilespmem:v55+s16+$0x0], $0xffff  }
0xb4: {  	v61 =	vld.idx.msk [tilespmem:v6+s15+$0x0], $0xffff;
	v3 =	vadd.f32 v4, v3;
	v4 =	vmul.f32 v5, v56  }
0xb5: {  	v5 =	vld.idx.msk [tilespmem:v6+s16+$0x0], $0xffff  }
0xb6: {  	v62 =	vld.idx.msk [tilespmem:v59+s16+$0x0], $0xffff;
	v3 =	vadd.f32 v4, v3;
	v4 =	vmul.f32 v58, v57  }
0xb7: {  	v6 =	vld.idx.msk [tilespmem:v59+s15+$0x0], $0xffff  }
0xb8: {  	v63 =	vld.idx.msk [tilespmem:v2+s15+$0x0], $0xffff;
	v3 =	vadd.f32 v4, v3;
	v4 =	vmul.f32 v7, v60  }
0xb9: {  	v7 =	vld.idx.msk [tilespmem:v2+s16+$0x0], $0xffff  }
0xba: {  	v2 =	vadd.f32 v4, v3;
	v3 =	vmul.f32 v5, v61;
	_ =	sdelay $0x1  }
0xbb: {  	s22 =	simm.s32 $0x20;
	v5 =	vmul.f32 v62, v6;
	v3 =	vadd.f32 v3, v2  }
0xbc: {  	v4 =	vmov s22  }
0xbd: {  	v2 =	vshll.u32 v4, $0x5;
	v4 =	vmul.f32 v7, v63;
	v3 =	vadd.f32 v5, v3  }
0xbe: {  	s23 =	simm.s32 $0x30;
	s22 =	simm.s32 $0x8800;
	v2 =	vor.u32 v0, v2  }
.LBB2_2:
0xbf: {  	p0 =	sne.s32 s23, $0x1F0;
	v3 =	vadd.f32 v4, v3  }
0xc0: {  	s22 =	sadd.s32 $0x10, s22  }
0xc1: {  	v4 =	vor.u32 $0x1, v2;
	[tilespmem:s22+$0x0] =	vst v3  }
0xc2: {  	s20 =	sadd.s32 $0x10, s20;
	v3 =	vld.idx.msk [tilespmem:v2+s15+$0x0], $0xffff  }
0xc3: {  	v6 =	vor.u32 $0x2, v2;
	s21 =	sadd.s32 $0x10, s21;
	v5 =	vld [tilespmem:s20+$0x0]  }
0xc4: {  	v7 =	vld [tilespmem:s21+$0x0]  }
0xc5: {  	v9 =	vor.u32 $0x3, v2;
	v8 =	vld.idx.msk [tilespmem:v2+s16+$0x0], $0xffff  }
0xc6: {  	v10 =	vld.idx.msk [tilespmem:v4+s15+$0x0], $0xffff  }
0xc7: {  	v11 =	vor.u32 $0x4, v2;
	v4 =	vld.idx.msk [tilespmem:v4+s16+$0x0], $0xffff  }
0xc8: {  	v12 =	vld.idx.msk [tilespmem:v6+s15+$0x0], $0xffff  }
0xc9: {  	v5 =	vadd.f32 v5, v7;
	v6 =	vld.idx.msk [tilespmem:v6+s16+$0x0], $0xffff;
	v7 =	vor.u32 $0x5, v2  }
0xca: {  	v13 =	vld.idx.msk [tilespmem:v9+s15+$0x0], $0xffff  }
0xcb: {  	v3 =	vmul.f32 v8, v3;
	v5 =	vadd.f32 v5, v1;
	v8 =	vld.idx.msk [tilespmem:v9+s16+$0x0], $0xffff;
	v9 =	vor.u32 $0x6, v2  }
0xcc: {  	v14 =	vld.idx.msk [tilespmem:v11+s15+$0x0], $0xffff  }
0xcd: {  	v4 =	vmul.f32 v4, v10;
	v10 =	vor.u32 $0x7, v2;
	v3 =	vadd.f32 v3, v5;
	v5 =	vld.idx.msk [tilespmem:v11+s16+$0x0], $0xffff  }
0xce: {  	v11 =	vld.idx.msk [tilespmem:v7+s15+$0x0], $0xffff  }
0xcf: {  	v3 =	vadd.f32 v4, v3;
	v4 =	vmul.f32 v6, v12;
	v6 =	vld.idx.msk [tilespmem:v7+s16+$0x0], $0xffff;
	v7 =	vor.u32 $0x8, v2  }
0xd0: {  	v12 =	vld.idx.msk [tilespmem:v9+s15+$0x0], $0xffff  }
0xd1: {  	v3 =	vadd.f32 v4, v3;
	v4 =	vmul.f32 v8, v13;
	v8 =	vld.idx.msk [tilespmem:v9+s16+$0x0], $0xffff;
	v9 =	vor.u32 $0x9, v2  }
0xd2: {  	v13 =	vld.idx.msk [tilespmem:v10+s15+$0x0], $0xffff  }
0xd3: {  	v3 =	vadd.f32 v4, v3;
	v4 =	vmul.f32 v5, v14;
	v5 =	vld.idx.msk [tilespmem:v10+s16+$0x0], $0xffff;
	v10 =	vor.u32 $0xA, v2  }
0xd4: {  	v14 =	vld.idx.msk [tilespmem:v7+s15+$0x0], $0xffff  }
0xd5: {  	v3 =	vadd.f32 v4, v3;
	v4 =	vmul.f32 v6, v11;
	v6 =	vld.idx.msk [tilespmem:v7+s16+$0x0], $0xffff;
	v7 =	vor.u32 $0xB, v2  }
0xd6: {  	v11 =	vld.idx.msk [tilespmem:v9+s15+$0x0], $0xffff  }
0xd7: {  	v3 =	vadd.f32 v4, v3;
	v4 =	vmul.f32 v8, v12;
	v8 =	vld.idx.msk [tilespmem:v9+s16+$0x0], $0xffff;
	v9 =	vor.u32 $0xC, v2  }
0xd8: {  	v12 =	vld.idx.msk [tilespmem:v10+s15+$0x0], $0xffff  }
0xd9: {  	v3 =	vadd.f32 v4, v3;
	v4 =	vmul.f32 v5, v13;
	v5 =	vld.idx.msk [tilespmem:v10+s16+$0x0], $0xffff;
	v10 =	vor.u32 $0xD, v2  }
0xda: {  	v13 =	vld.idx.msk [tilespmem:v7+s15+$0x0], $0xffff  }
0xdb: {  	v3 =	vadd.f32 v4, v3;
	v4 =	vmul.f32 v6, v14;
	v6 =	vld.idx.msk [tilespmem:v7+s16+$0x0], $0xffff;
	v7 =	vor.u32 $0xE, v2  }
0xdc: {  	v14 =	vld.idx.msk [tilespmem:v9+s15+$0x0], $0xffff  }
0xdd: {  	v3 =	vadd.f32 v4, v3;
	v4 =	vmul.f32 v8, v11;
	v8 =	vld.idx.msk [tilespmem:v9+s16+$0x0], $0xffff;
	v9 =	vor.u32 $0xF, v2  }
0xde: {  	v11 =	vld.idx.msk [tilespmem:v10+s15+$0x0], $0xffff  }
0xdf: {  	v3 =	vadd.f32 v4, v3;
	v4 =	vmul.f32 v5, v12;
	v5 =	vld.idx.msk [tilespmem:v10+s16+$0x0], $0xffff;
	v10 =	vor.u32 $0x10, v2  }
0xe0: {  	v12 =	vld.idx.msk [tilespmem:v7+s15+$0x0], $0xffff  }
0xe1: {  	v3 =	vadd.f32 v4, v3;
	v4 =	vmul.f32 v6, v13;
	v6 =	vld.idx.msk [tilespmem:v7+s16+$0x0], $0xffff;
	v7 =	vor.u32 $0x11, v2  }
0xe2: {  	v13 =	vld.idx.msk [tilespmem:v9+s15+$0x0], $0xffff  }
0xe3: {  	v3 =	vadd.f32 v4, v3;
	v4 =	vmul.f32 v8, v14;
	v8 =	vld.idx.msk [tilespmem:v9+s16+$0x0], $0xffff;
	v9 =	vor.u32 $0x12, v2  }
0xe4: {  	v14 =	vld.idx.msk [tilespmem:v10+s15+$0x0], $0xffff  }
0xe5: {  	v3 =	vadd.f32 v4, v3;
	v4 =	vmul.f32 v5, v11;
	v5 =	vld.idx.msk [tilespmem:v10+s16+$0x0], $0xffff;
	v10 =	vor.u32 $0x13, v2  }
0xe6: {  	v11 =	vld.idx.msk [tilespmem:v7+s15+$0x0], $0xffff  }
0xe7: {  	v3 =	vadd.f32 v4, v3;
	v4 =	vmul.f32 v6, v12;
	v6 =	vld.idx.msk [tilespmem:v7+s16+$0x0], $0xffff;
	v7 =	vor.u32 $0x14, v2  }
0xe8: {  	v12 =	vld.idx.msk [tilespmem:v9+s15+$0x0], $0xffff  }
0xe9: {  	v3 =	vadd.f32 v4, v3;
	v4 =	vmul.f32 v8, v13;
	v8 =	vld.idx.msk [tilespmem:v9+s16+$0x0], $0xffff;
	v9 =	vor.u32 $0x15, v2  }
0xea: {  	v13 =	vld.idx.msk [tilespmem:v10+s15+$0x0], $0xffff  }
0xeb: {  	v3 =	vadd.f32 v4, v3;
	v4 =	vmul.f32 v5, v14;
	v5 =	vld.idx.msk [tilespmem:v10+s16+$0x0], $0xffff;
	v10 =	vor.u32 $0x16, v2  }
0xec: {  	v14 =	vld.idx.msk [tilespmem:v7+s15+$0x0], $0xffff  }
0xed: {  	v3 =	vadd.f32 v4, v3;
	v4 =	vmul.f32 v6, v11;
	v6 =	vld.idx.msk [tilespmem:v7+s16+$0x0], $0xffff;
	v7 =	vor.u32 $0x17, v2  }
0xee: {  	v11 =	vld.idx.msk [tilespmem:v9+s15+$0x0], $0xffff  }
0xef: {  	v3 =	vadd.f32 v4, v3;
	v4 =	vmul.f32 v8, v12;
	v8 =	vld.idx.msk [tilespmem:v9+s16+$0x0], $0xffff;
	v9 =	vor.u32 $0x18, v2  }
0xf0: {  	v12 =	vld.idx.msk [tilespmem:v10+s15+$0x0], $0xffff  }
0xf1: {  	v3 =	vadd.f32 v4, v3;
	v4 =	vmul.f32 v5, v13;
	v5 =	vld.idx.msk [tilespmem:v10+s16+$0x0], $0xffff;
	v10 =	vor.u32 $0x19, v2  }
0xf2: {  	v13 =	vld.idx.msk [tilespmem:v7+s15+$0x0], $0xffff  }
0xf3: {  	v3 =	vadd.f32 v4, v3;
	v4 =	vmul.f32 v6, v14;
	v6 =	vld.idx.msk [tilespmem:v7+s16+$0x0], $0xffff;
	v7 =	vor.u32 $0x1A, v2  }
0xf4: {  	v14 =	vld.idx.msk [tilespmem:v9+s15+$0x0], $0xffff  }
0xf5: {  	v3 =	vadd.f32 v4, v3;
	v4 =	vmul.f32 v8, v11;
	v8 =	vld.idx.msk [tilespmem:v9+s16+$0x0], $0xffff;
	v9 =	vor.u32 $0x1B, v2  }
0xf6: {  	v11 =	vld.idx.msk [tilespmem:v10+s15+$0x0], $0xffff  }
0xf7: {  	v3 =	vadd.f32 v4, v3;
	v4 =	vmul.f32 v5, v12;
	v5 =	vld.idx.msk [tilespmem:v10+s16+$0x0], $0xffff;
	v10 =	vor.u32 $0x1C, v2  }
0xf8: {  	v12 =	vld.idx.msk [tilespmem:v7+s15+$0x0], $0xffff  }
0xf9: {  	v3 =	vadd.f32 v4, v3;
	v4 =	vmul.f32 v6, v13;
	v6 =	vld.idx.msk [tilespmem:v7+s16+$0x0], $0xffff;
	v7 =	vor.u32 $0x1D, v2  }
0xfa: {  	v13 =	vld.idx.msk [tilespmem:v9+s15+$0x0], $0xffff  }
0xfb: {  	v3 =	vadd.f32 v4, v3;
	v4 =	vmul.f32 v8, v14;
	v8 =	vld.idx.msk [tilespmem:v9+s16+$0x0], $0xffff;
	v9 =	vor.u32 $0x1E, v2  }
0xfc: {  	v14 =	vld.idx.msk [tilespmem:v10+s15+$0x0], $0xffff  }
0xfd: {  	v2 =	vor.u32 $0x1F, v2;
	v3 =	vadd.f32 v4, v3;
	v4 =	vmul.f32 v5, v11;
	v5 =	vld.idx.msk [tilespmem:v10+s16+$0x0], $0xffff  }
0xfe: {  	v10 =	vld.idx.msk [tilespmem:v7+s15+$0x0], $0xffff  }
0xff: {  	v3 =	vadd.f32 v4, v3;
	v4 =	vmul.f32 v6, v12;
	v6 =	vld.idx.msk [tilespmem:v7+s16+$0x0], $0xffff  }
0x100: {  	v7 =	vld.idx.msk [tilespmem:v9+s15+$0x0], $0xffff  }
0x101: {  	v3 =	vadd.f32 v4, v3;
	v4 =	vmul.f32 v8, v13;
	v8 =	vld.idx.msk [tilespmem:v9+s16+$0x0], $0xffff  }
0x102: {  	v9 =	vld.idx.msk [tilespmem:v2+s15+$0x0], $0xffff  }
0x103: {  	v3 =	vadd.f32 v4, v3;
	v4 =	vmul.f32 v5, v14;
	v5 =	vld.idx.msk [tilespmem:v2+s16+$0x0], $0xffff;
	_ =	sdelay $0x1  }
0x104: {  	v2 =	vadd.f32 v4, v3;
	v3 =	vmul.f32 v6, v10  }
.Ltmp0:
0x105: {  	(pc) =	sbr.rel @p0 .LBB2_2-.Ltmp0, $4  }
0x106: {  	v4 =	vmov s23;
	v6 =	vmul.f32 v8, v7;
	v3 =	vadd.f32 v3, v2  }
0x107: {  	v2 =	vshll.u32 v4, $0x5  }
0x108: {  	v2 =	vor.u32 v0, v2;
	v4 =	vmul.f32 v5, v9;
	v3 =	vadd.f32 v6, v3  }
0x109: {  	s23 =	sadd.s32 $0x10, s23  }
0x10a: {  	v3 =	vadd.f32 v4, v3  }
0x10b: {  	s22 =	sadd.s32 $0x10, s22  }
0x10c: {  	v29 =	vor.u32 $0x1, v2;
	s20 =	sadd.s32 $0x10, s20;
	[tilespmem:s22+$0x0] =	vst v3  }
0x10d: {  	s30 =	sadd.s32 $0x10, s21;
	v3 =	vld [tilespmem:s20+$0x0]  }
0x10e: {  	v5 =	vor.u32 $0x2, v2;
	v6 =	vld [tilespmem:s30+$0x0]  }
0x10f: {  	v7 =	vld.idx.msk [tilespmem:v2+s15+$0x0], $0xffff  }
0x110: {  	v9 =	vor.u32 $0x3, v2;
	v8 =	vld.idx.msk [tilespmem:v2+s16+$0x0], $0xffff  }
0x111: {  	v10 =	vld.idx.msk [tilespmem:v29+s15+$0x0], $0xffff  }
0x112: {  	v11 =	vor.u32 $0x4, v2;
	v4 =	vld.idx.msk [tilespmem:v29+s16+$0x0], $0xffff  }
0x113: {  	v12 =	vld.idx.msk [tilespmem:v5+s15+$0x0], $0xffff;
	v3 =	vadd.f32 v3, v6  }
0x114: {  	v30 =	vor.u32 $0x5, v2;
	v5 =	vld.idx.msk [tilespmem:v5+s16+$0x0], $0xffff  }
0x115: {  	v13 =	vld.idx.msk [tilespmem:v9+s15+$0x0], $0xffff;
	v1 =	vadd.f32 v3, v1;
	v3 =	vmul.f32 v8, v7  }
0x116: {  	v32 =	vor.u32 $0x6, v2;
	v31 =	vld.idx.msk [tilespmem:v9+s16+$0x0], $0xffff  }
0x117: {  	v33 =	vld.idx.msk [tilespmem:v11+s15+$0x0], $0xffff;
	v1 =	vadd.f32 v3, v1;
	v3 =	vmul.f32 v4, v10  }
0x118: {  	v35 =	vor.u32 $0x7, v2;
	v34 =	vld.idx.msk [tilespmem:v11+s16+$0x0], $0xffff  }
0x119: {  	v36 =	vld.idx.msk [tilespmem:v30+s15+$0x0], $0xffff;
	v1 =	vadd.f32 v3, v1;
	v3 =	vmul.f32 v5, v12  }
0x11a: {  	v38 =	vor.u32 $0x8, v2;
	v37 =	vld.idx.msk [tilespmem:v30+s16+$0x0], $0xffff  }
0x11b: {  	v39 =	vld.idx.msk [tilespmem:v32+s15+$0x0], $0xffff;
	v1 =	vadd.f32 v3, v1;
	v3 =	vmul.f32 v31, v13  }
0x11c: {  	v41 =	vor.u32 $0x9, v2;
	v40 =	vld.idx.msk [tilespmem:v32+s16+$0x0], $0xffff  }
0x11d: {  	v42 =	vld.idx.msk [tilespmem:v35+s15+$0x0], $0xffff;
	v1 =	vadd.f32 v3, v1;
	v3 =	vmul.f32 v34, v33  }
0x11e: {  	v44 =	vor.u32 $0xA, v2;
	v43 =	vld.idx.msk [tilespmem:v35+s16+$0x0], $0xffff  }
0x11f: {  	v45 =	vld.idx.msk [tilespmem:v38+s15+$0x0], $0xffff;
	v1 =	vadd.f32 v3, v1;
	v3 =	vmul.f32 v37, v36  }
0x120: {  	v47 =	vor.u32 $0xB, v2;
	v46 =	vld.idx.msk [tilespmem:v38+s16+$0x0], $0xffff  }
0x121: {  	v48 =	vld.idx.msk [tilespmem:v41+s15+$0x0], $0xffff;
	v1 =	vadd.f32 v3, v1;
	v3 =	vmul.f32 v40, v39  }
0x122: {  	v50 =	vor.u32 $0xC, v2;
	v49 =	vld.idx.msk [tilespmem:v41+s16+$0x0], $0xffff  }
0x123: {  	v51 =	vld.idx.msk [tilespmem:v44+s15+$0x0], $0xffff;
	v1 =	vadd.f32 v3, v1;
	v3 =	vmul.f32 v43, v42  }
0x124: {  	v53 =	vor.u32 $0xD, v2;
	v52 =	vld.idx.msk [tilespmem:v44+s16+$0x0], $0xffff  }
0x125: {  	v54 =	vld.idx.msk [tilespmem:v47+s15+$0x0], $0xffff;
	v1 =	vadd.f32 v3, v1;
	v3 =	vmul.f32 v46, v45  }
0x126: {  	v56 =	vor.u32 $0xE, v2;
	v55 =	vld.idx.msk [tilespmem:v47+s16+$0x0], $0xffff  }
0x127: {  	v57 =	vld.idx.msk [tilespmem:v50+s15+$0x0], $0xffff;
	v1 =	vadd.f32 v3, v1;
	v3 =	vmul.f32 v49, v48  }
0x128: {  	v59 =	vor.u32 $0xF, v2;
	v58 =	vld.idx.msk [tilespmem:v50+s16+$0x0], $0xffff  }
0x129: {  	v60 =	vld.idx.msk [tilespmem:v53+s15+$0x0], $0xffff;
	v1 =	vadd.f32 v3, v1;
	v3 =	vmul.f32 v52, v51  }
0x12a: {  	v62 =	vor.u32 $0x10, v2;
	v61 =	vld.idx.msk [tilespmem:v53+s16+$0x0], $0xffff  }
0x12b: {  	v63 =	vld.idx.msk [tilespmem:v56+s15+$0x0], $0xffff;
	v1 =	vadd.f32 v3, v1;
	v3 =	vmul.f32 v55, v54  }
0x12c: {  	v17 =	vor.u32 $0x11, v2;
	v16 =	vld.idx.msk [tilespmem:v56+s16+$0x0], $0xffff  }
0x12d: {  	v18 =	vld.idx.msk [tilespmem:v59+s15+$0x0], $0xffff;
	v1 =	vadd.f32 v3, v1;
	v3 =	vmul.f32 v58, v57  }
0x12e: {  	v20 =	vor.u32 $0x12, v2;
	v19 =	vld.idx.msk [tilespmem:v59+s16+$0x0], $0xffff  }
0x12f: {  	v21 =	vld.idx.msk [tilespmem:v62+s15+$0x0], $0xffff;
	v1 =	vadd.f32 v3, v1;
	v3 =	vmul.f32 v61, v60  }
0x130: {  	v23 =	vor.u32 $0x13, v2;
	v22 =	vld.idx.msk [tilespmem:v62+s16+$0x0], $0xffff  }
0x131: {  	v24 =	vld.idx.msk [tilespmem:v17+s15+$0x0], $0xffff;
	v1 =	vadd.f32 v3, v1;
	v3 =	vmul.f32 v16, v63  }
0x132: {  	v26 =	vor.u32 $0x14, v2;
	v25 =	vld.idx.msk [tilespmem:v17+s16+$0x0], $0xffff  }
0x133: {  	v27 =	vld.idx.msk [tilespmem:v20+s15+$0x0], $0xffff;
	v1 =	vadd.f32 v3, v1;
	v3 =	vmul.f32 v19, v18  }
0x134: {  	v28 =	vld.idx.msk [tilespmem:v20+s16+$0x0], $0xffff;
	v29 =	vor.u32 $0x15, v2  }
0x135: {  	v30 =	vld.idx.msk [tilespmem:v23+s15+$0x0], $0xffff;
	v1 =	vadd.f32 v3, v1;
	v3 =	vmul.f32 v22, v21  }
0x136: {  	v32 =	vor.u32 $0x16, v2;
	v31 =	vld.idx.msk [tilespmem:v23+s16+$0x0], $0xffff  }
0x137: {  	v33 =	vld.idx.msk [tilespmem:v26+s15+$0x0], $0xffff;
	v1 =	vadd.f32 v3, v1;
	v3 =	vmul.f32 v25, v24  }
0x138: {  	v35 =	vor.u32 $0x17, v2;
	v34 =	vld.idx.msk [tilespmem:v26+s16+$0x0], $0xffff  }
0x139: {  	v36 =	vld.idx.msk [tilespmem:v29+s15+$0x0], $0xffff;
	v1 =	vadd.f32 v3, v1;
	v3 =	vmul.f32 v28, v27  }
0x13a: {  	v38 =	vor.u32 $0x18, v2;
	v37 =	vld.idx.msk [tilespmem:v29+s16+$0x0], $0xffff  }
0x13b: {  	v39 =	vld.idx.msk [tilespmem:v32+s15+$0x0], $0xffff;
	v1 =	vadd.f32 v3, v1;
	v3 =	vmul.f32 v31, v30  }
0x13c: {  	v41 =	vor.u32 $0x19, v2;
	v40 =	vld.idx.msk [tilespmem:v32+s16+$0x0], $0xffff  }
0x13d: {  	v42 =	vld.idx.msk [tilespmem:v35+s15+$0x0], $0xffff;
	v1 =	vadd.f32 v3, v1;
	v3 =	vmul.f32 v34, v33  }
0x13e: {  	v44 =	vor.u32 $0x1A, v2;
	v43 =	vld.idx.msk [tilespmem:v35+s16+$0x0], $0xffff  }
0x13f: {  	v45 =	vld.idx.msk [tilespmem:v38+s15+$0x0], $0xffff;
	v1 =	vadd.f32 v3, v1;
	v3 =	vmul.f32 v37, v36  }
0x140: {  	v47 =	vor.u32 $0x1B, v2;
	v46 =	vld.idx.msk [tilespmem:v38+s16+$0x0], $0xffff  }
0x141: {  	v48 =	vld.idx.msk [tilespmem:v41+s15+$0x0], $0xffff;
	v1 =	vadd.f32 v3, v1;
	v3 =	vmul.f32 v40, v39  }
0x142: {  	v50 =	vor.u32 $0x1C, v2;
	v49 =	vld.idx.msk [tilespmem:v41+s16+$0x0], $0xffff  }
0x143: {  	v51 =	vld.idx.msk [tilespmem:v44+s15+$0x0], $0xffff;
	v1 =	vadd.f32 v3, v1;
	v3 =	vmul.f32 v43, v42  }
0x144: {  	v53 =	vor.u32 $0x1D, v2;
	v52 =	vld.idx.msk [tilespmem:v44+s16+$0x0], $0xffff  }
0x145: {  	v54 =	vld.idx.msk [tilespmem:v47+s15+$0x0], $0xffff;
	v1 =	vadd.f32 v3, v1;
	v3 =	vmul.f32 v46, v45  }
0x146: {  	v56 =	vor.u32 $0x1E, v2;
	v55 =	vld.idx.msk [tilespmem:v47+s16+$0x0], $0xffff  }
0x147: {  	v57 =	vld.idx.msk [tilespmem:v50+s15+$0x0], $0xffff;
	v1 =	vadd.f32 v3, v1;
	v3 =	vmul.f32 v49, v48  }
0x148: {  	v2 =	vor.u32 $0x1F, v2;
	v58 =	vld.idx.msk [tilespmem:v50+s16+$0x0], $0xffff  }
0x149: {  	v59 =	vld.idx.msk [tilespmem:v53+s15+$0x0], $0xffff;
	v1 =	vadd.f32 v3, v1;
	v3 =	vmul.f32 v52, v51  }
0x14a: {  	v60 =	vld.idx.msk [tilespmem:v53+s16+$0x0], $0xffff  }
0x14b: {  	v62 =	vld.idx.msk [tilespmem:v56+s16+$0x0], $0xffff;
	v1 =	vadd.f32 v3, v1;
	v3 =	vmul.f32 v55, v54  }
0x14c: {  	v61 =	vld.idx.msk [tilespmem:v56+s15+$0x0], $0xffff  }
0x14d: {  	v63 =	vld.idx.msk [tilespmem:v2+s15+$0x0], $0xffff;
	v1 =	vadd.f32 v3, v1;
	v3 =	vmul.f32 v58, v57  }
0x14e: {  	v2 =	vld.idx.msk [tilespmem:v2+s16+$0x0], $0xffff  }
0x14f: {  	v1 =	vadd.f32 v3, v1;
	v3 =	vmul.f32 v60, v59;
	_ =	sdelay $0x1  }
0x150: {  	v1 =	vadd.f32 v3, v1;
	v3 =	vmul.f32 v62, v61;
	_ =	sdelay $0x1  }
0x151: {  	v2 =	vmul.f32 v2, v63;
	v1 =	vadd.f32 v3, v1;
	_ =	sdelay $0x1  }
0x152: {  	s19 =	sadd.s32 $0x1, s19;
	v1 =	vadd.f32 v2, v1  }
0x153: {  	s31 =	sadd.s32 $0x10, s22;
	p0 =	sne.s32 s19, s11  }
.Ltmp1:
0x154: {  	[tilespmem:s31+$0x0] =	vst v1;
	(pc) =	sbr.rel @p0 .LBB2_1-.Ltmp1, $4  }
0x155: {  	[hbm4b:s10+s2] =	stream.linear.scatter [tilespmem:s18], [sflag:$0x2], $0x200, $0x38;
	[tilespmem:$0x8A10] =	vst v63  }
0x156: {  	_ =	swait.ge [sflag:s12], $0x200  }
0x157: {  	[sflag:s12] =	ssyncset.done $0x0  }
0x158: {  	[sflag:s12] =	ssyncadd.s32 $0xFFFFFE00  }
0x159: {  	_ =	sfence.sel $0x180000  }
0x15a: {  	[bflag:$0x0] =	sbarrier.arrive $0xFFFF  }
0x15b: {  	p0 =	sne.s32 s3, $0x0;
	_ =	strace $0x90000047  }
0x15c: {  	s0 =	sadd.s32 @!p0 $0x100000, s0;
	[bflag:$0x2] =	sbarrier.arrive $0xFFFF  }
0x15d: {  	[sflag:s0] =	ssyncadd.tile.s32 @!p0 $0x1;
	_ =	shalt  }
.Lfunc_end2:
_tile_overlayer_lowered:
.L_overlay_start_2:
0x15e: {  	(tag) =	ssettag $0x2  }
0x15f: {  	s0 =	rddreg [dreg:$0x0];
	s2 =	stileid.u32  }
0x160: {  	s1 =	rddreg [dreg:$0x1];
	p0 =	sne.s32 s2, $0x0  }
0x161: {  	s3 =	rddreg [dreg:$0x2];
	[bflag:$0x3] =	sbarrier.arrive $0xFFFF;
	s2 =	simm.s32 @!p0 $0x1C02  }
0x162: {  	[timem:s3], [sflag:s2] =	dma.local @!p0 [hbm:s0], s1  }
0x163: {  	s0 =	simm.s32 @!p0 $0x2  }
0x164: {  	_ =	swait.ge @!p0 [sflag:s0], s1  }
0x165: {  	s1 =	ssub.s32 @!p0 $0x0, s1;
	[sflag:s0] =	ssyncset.done @!p0 $0x0  }
0x166: {  	[sflag:s0] =	ssyncadd.s32 @!p0 s1  }
0x167: {  	[bflag:$0x3] =	sbarrier.arrive $0xFFFF  }
0x168: {  	_ =	shalt  }

</sc_bundles>
